<compile_context>
chip_gen: v7x
topology: tpu7x:2x2x1
jax: 0.10.2.dev20260603
libtpu: 0.0.44.dev20260713+nightly
codegen_flags: <defaults>
</compile_context>

<pallas_src>
import functools

import jax
import jax.numpy as jnp
from jax import lax
from jax.experimental import pallas as pl
from jax.experimental.pallas import tpu as pltpu
from jax.experimental.pallas import tpu_sc as plsc

NC = 2
NS = 16
NW = NC * NS
BLK = 80


def _seg_sum_sc(src_flat, dst_flat, feat):
    e = src_flat.shape[0]
    n, d = feat.shape
    e_w = e // NW
    n_blk = e_w // BLK
    tile_stride = ((n // NS) // 8) * 8
    tile_span = n - (NS - 1) * tile_stride
    assert tile_span % BLK == 0 and tile_stride % 8 == 0
    assert n_blk % 2 == 1 and n_blk >= 3 and e_w % 8 == 0

    mesh = plsc.VectorSubcoreMesh(core_axis_name="c", subcore_axis_name="s",
                                  num_cores=NC, num_subcores=NS)

    @functools.partial(
        pl.kernel,
        out_type=jax.ShapeDtypeStruct((NC, n, d), jnp.float32),
        mesh=mesh,
        scratch_types=[
            pltpu.VMEM((e_w,), jnp.int32),
            pltpu.VMEM((e_w,), jnp.int32),
            pltpu.VMEM((BLK,), jnp.int32),
            pltpu.VMEM((BLK,), jnp.int32),
            pltpu.VMEM((BLK, d), jnp.float32),
            pltpu.VMEM((BLK, d), jnp.float32),
            pltpu.VMEM_SHARED((n, d), jnp.float32),
            pltpu.SemaphoreType.DMA,
            pltpu.SemaphoreType.DMA,
            pltpu.SemaphoreType.DMA,
            pltpu.SemaphoreType.DMA,
        ],
    )
    def seg_kernel(src_hbm, dst_hbm, feat_hbm, out_hbm, src_v, dst_v,
                   dst_blk_a, dst_blk_b, rows_a, rows_b, acc,
                   sem_a, sem_b, sem_sa, sem_sb):
        c = lax.axis_index("c")
        s = lax.axis_index("s")
        wid = c * NS + s

        pltpu.async_copy(src_hbm.at[pl.ds(wid * e_w, e_w)], src_v, sem_sa)
        pltpu.async_copy(dst_hbm.at[pl.ds(wid * e_w, e_w)], dst_v, sem_sb)

        def zero_body(i, _):
            r = i // (d // 16)
            col = (i % (d // 16)) * 16
            rows_a[r, pl.ds(col, 16)] = jnp.zeros((16,), jnp.float32)
            return 0
        lax.fori_loop(0, BLK * (d // 16), zero_body, 0)
        base = s * tile_stride
        zero_copies = [
            pltpu.make_async_copy(rows_a, acc.at[pl.ds(base + k * BLK, BLK)],
                                  sem_b)
            for k in range(tile_span // BLK)
        ]
        for cp in zero_copies:
            cp.start()
        for cp in zero_copies:
            cp.wait()
        pltpu.make_async_copy(src_hbm.at[pl.ds(wid * e_w, e_w)], src_v,
                              sem_sa).wait()
        pltpu.make_async_copy(dst_hbm.at[pl.ds(wid * e_w, e_w)], dst_v,
                              sem_sb).wait()
        plsc.subcore_barrier()


        def src_idx(b):
            return src_v.at[pl.ds(b * BLK, BLK)]

        def fill(blk_ref, b):
            for j in range(BLK // 16):
                blk_ref[pl.ds(j * 16, 16)] = dst_v[pl.ds(b * BLK + j * 16,
                                                         16)]

        def wait_gather(rows, sem):
            pltpu.make_async_copy(feat_hbm.at[src_idx(0)], rows, sem).wait()

        def scatter(b, rows, blk_ref):
            fill(blk_ref, b)
            pltpu.sync_copy(rows, acc.at[blk_ref], add=True)

        assert n_blk % 2 == 1 and n_blk >= 3
        pltpu.async_copy(feat_hbm.at[src_idx(0)], rows_a, sem_a)

        def pair_body(g, _):
            b0 = g * 2
            b1 = b0 + 1
            pltpu.async_copy(feat_hbm.at[src_idx(b1)], rows_b, sem_b)
            wait_gather(rows_a, sem_a)
            scatter(b0, rows_a, dst_blk_a)
            pltpu.async_copy(feat_hbm.at[src_idx(b0 + 2)], rows_a, sem_a)
            wait_gather(rows_b, sem_b)
            scatter(b1, rows_b, dst_blk_b)
            return 0
        lax.fori_loop(0, (n_blk - 1) // 2, pair_body, 0)

        wait_gather(rows_a, sem_a)
        scatter(n_blk - 1, rows_a, dst_blk_a)
        plsc.subcore_barrier()

        out_copies = [
            pltpu.make_async_copy(acc.at[pl.ds(base + k * BLK, BLK)],
                                  out_hbm.at[c, pl.ds(base + k * BLK, BLK)],
                                  sem_a)
            for k in range(tile_span // BLK)
        ]
        for cp in out_copies:
            cp.start()
        for cp in out_copies:
            cp.wait()

    return seg_kernel(src_flat, dst_flat, feat)


def _transform_tc(partials, W):
    nc, n, d = partials.shape
    h = W.shape[0]

    def body(p_ref, w_ref, o_ref):
        acc = p_ref[0]
        for i in range(1, nc):
            acc = acc + p_ref[i]
        wm = w_ref[0]
        for i in range(1, h):
            wm = wm + w_ref[i]
        wm = wm * (1.0 / h)
        o_ref[...] = jnp.maximum(
            jax.lax.dot(acc.astype(jnp.bfloat16), wm.astype(jnp.bfloat16),
                        preferred_element_type=jnp.float32), 0.0)

    return pl.pallas_call(
        body,
        out_shape=jax.ShapeDtypeStruct((n, W.shape[2]), jnp.float32),
    )(partials, W)


def kernel(feat, edge_index, W, al, ar):
    del al, ar
    n, d = feat.shape
    e = edge_index.shape[1]
    assert e % (NW * BLK) == 0 and n % NS == 0 and d % 16 == 0
    partials = _seg_sum_sc(edge_index[0], edge_index[1], feat)
    return _transform_tc(partials, W)

# --- scband reference (transcript-rebuilt; emitter-appended) ---
"""Pipeline reference for scband-multi-head-gatlayer-19859928776756 (READ-ONLY COPY).

The authoritative reference and input builder live on the scoring server;
editing this copy changes nothing except your own understanding.
"""

import jax, jax.numpy as jnp
import numpy as np

N = 10000
E = 320000
DIN = 128
DOUT = 128
H = 2


def setup_inputs(seed: int = 0) -> dict:
    key = jax.random.key(seed)
    k1, k2, k3, k4, k5 = jax.random.split(key, 5)
    feat = jax.random.normal(k1, (N, DIN), dtype=jnp.float32)
    edge_index = jax.random.randint(k2, (2, E), 0, N, dtype=jnp.int32)
    # learned parameters, one set per head (matches nn.Parameter(torch.randn(...)))
    W = jax.random.normal(k3, (H, DIN, DOUT), dtype=jnp.float32)
    al = jax.random.normal(k4, (H, DIN, 1), dtype=jnp.float32)
    ar = jax.random.normal(k5, (H, DIN, 1), dtype=jnp.float32)
    return {"feat": feat, "edge_index": edge_index, "W": W, "al": al, "ar": ar}


def reference(feat, edge_index, W, al, ar):
    src = edge_index[0]
    dst = edge_index[1]

    def one_head(Wi, ali, ari):
        h = feat @ Wi                      # ndata['h'] = feat.mm(W)
        el = feat @ ali                    # ndata['el'] = feat.mm(al)
        er = feat @ ari                    # ndata['er'] = feat.mm(ar)
        e = el[src] + er[dst]              # apply_edges u_add_v -> [E, 1]
        e = jax.nn.leaky_relu(e, negative_slope=0.01)
        # F.softmax(e) on a 2D tensor defaults to dim=1 (edata 'w')
        w = jax.nn.softmax(e, axis=1)
        m = h[src] * w                     # src_mul_edge message
        return jax.ops.segment_sum(m, dst, num_segments=N)  # fn.sum reduce

    head_outs = jax.vmap(one_head)(W, al, ar)   # [H, N, DOUT]
    # merge=None -> mean over heads
    x = jnp.mean(head_outs, axis=0)
    return jax.nn.relu(x)                       # activation

if __name__ == "__main__":
    import jax
    _d = setup_inputs()
    print(jax.jit(kernel)(*tuple(_d.values())))

</pallas_src>

<mosaic_0001>
#map = affine_map<(d0, d1) -> (0)>
#map1 = affine_map<(d0, d1) -> (0, 0)>
#map2 = affine_map<(d0, d1) -> (0, 0, 0)>
module attributes {stable_mosaic.version = 14 : i64} {
  func.func @seg_kernel(%arg0: i32, %arg1: i32, %arg2: memref<320000xi32, #tpu.memory_space<hbm>>, %arg3: memref<320000xi32, #tpu.memory_space<hbm>>, %arg4: memref<10000x128xf32, #tpu.memory_space<hbm>>, %arg5: memref<2x10000x128xf32, #tpu.memory_space<hbm>>, %arg6: memref<10000xi32, #tpu.memory_space<vmem>>, %arg7: memref<10000xi32, #tpu.memory_space<vmem>>, %arg8: memref<80xi32, #tpu.memory_space<vmem>>, %arg9: memref<80xi32, #tpu.memory_space<vmem>>, %arg10: memref<80x128xf32, #tpu.memory_space<vmem>>, %arg11: memref<80x128xf32, #tpu.memory_space<vmem>>, %arg12: memref<10000x128xf32, #tpu.memory_space<vmem_shared>>, %arg13: memref<!tpu.dma_semaphore, #tpu.memory_space<semaphore_mem>>, %arg14: memref<!tpu.dma_semaphore, #tpu.memory_space<semaphore_mem>>, %arg15: memref<!tpu.dma_semaphore, #tpu.memory_space<semaphore_mem>>, %arg16: memref<!tpu.dma_semaphore, #tpu.memory_space<semaphore_mem>>) attributes {dimension_semantics = [#tpu.dimension_semantics<core_parallel>, #tpu.dimension_semantics<subcore_parallel>], iteration_bounds = array<i64: 2, 16>, scalar_prefetch = 0 : i64, scratch_operands = 11 : i64, tpu.core_type = #tpu.core_type<sc_vector_subcore>, window_params = [{transform_indices = #map}, {transform_indices = #map}, {transform_indices = #map1}, {transform_indices = #map2}]} {
    %mul3A = arith.constant 16 : i32
    %mul3A_0 = arith.muli %arg0, %mul3A : i32
    %add3A = arith.addi %mul3A_0, %arg1 : i32
    %mul3A_1 = arith.constant 10000 : i32
    %mul3A_2 = arith.muli %add3A, %mul3A_1 : i32
    %dma_start3A = tpu.memref_slice %arg2[%mul3A_2] : memref<320000xi32, #tpu.memory_space<hbm>> -> memref<10000xi32, #tpu.memory_space<hbm>>
    %dma_start3A_3 = tpu.memref_slice %arg2[%mul3A_2] : memref<320000xi32, #tpu.memory_space<hbm>> -> memref<10000xi32, #tpu.memory_space<hbm>>
    tpu.enqueue_dma source(%dma_start3A_3 : memref<10000xi32, #tpu.memory_space<hbm>>) target(%arg6 : memref<10000xi32, #tpu.memory_space<vmem>>) target_semaphore(%arg15 : memref<!tpu.dma_semaphore, #tpu.memory_space<semaphore_mem>>)
    %mul3A_4 = arith.constant 10000 : i32
    %mul3A_5 = arith.muli %add3A, %mul3A_4 : i32
    %dma_start3A_6 = tpu.memref_slice %arg3[%mul3A_5] : memref<320000xi32, #tpu.memory_space<hbm>> -> memref<10000xi32, #tpu.memory_space<hbm>>
    %dma_start3A_7 = tpu.memref_slice %arg3[%mul3A_5] : memref<320000xi32, #tpu.memory_space<hbm>> -> memref<10000xi32, #tpu.memory_space<hbm>>
    tpu.enqueue_dma source(%dma_start3A_7 : memref<10000xi32, #tpu.memory_space<hbm>>) target(%arg7 : memref<10000xi32, #tpu.memory_space<vmem>>) target_semaphore(%arg16 : memref<!tpu.dma_semaphore, #tpu.memory_space<semaphore_mem>>)
    %scan3A = arith.constant 0 : i32
    %scan3A_8 = arith.constant 0 : i32
    %scan3A_9 = arith.constant 640 : i32
    %scan3A_10 = arith.addi %scan3A_8, %scan3A_9 : i32
    %scan3A_11 = arith.constant 1 : i32
    %scan3A_12 = scf.for %scan3A_266 = %scan3A_8 to %scan3A_10 step %scan3A_11 iter_args(%scan3A_267 = %scan3A) -> (i32)  : i32 {
      %jit3A = arith.constant 8 : i32
      %div3A = arith.divsi %scan3A_266, %jit3A : i32
      %sign3A = arith.constant 0 : i32
      %sign3A_268 = arith.cmpi sgt, %scan3A_266, %sign3A : i32
      %sign3A_269 = arith.extui %sign3A_268 : i1 to i32
      %sign3A_270 = arith.constant 0 : i32
      %sign3A_271 = arith.cmpi slt, %scan3A_266, %sign3A_270 : i32
      %sign3A_272 = arith.extui %sign3A_271 : i1 to i32
      %sign3A_273 = arith.subi %sign3A_269, %sign3A_272 : i32
      %sign3A_274 = arith.constant 0 : i32
      %sign3A_275 = arith.cmpi sgt, %jit3A, %sign3A_274 : i32
      %sign3A_276 = arith.extui %sign3A_275 : i1 to i32
      %sign3A_277 = arith.constant 0 : i32
      %sign3A_278 = arith.cmpi slt, %jit3A, %sign3A_277 : i32
      %sign3A_279 = arith.extui %sign3A_278 : i1 to i32
      %sign3A_280 = arith.subi %sign3A_276, %sign3A_279 : i32
      %ne3A = arith.cmpi ne, %sign3A_273, %sign3A_280 : i32
      %rem3A = arith.remsi %scan3A_266, %jit3A : i32
      %ne3A_281 = arith.constant 0 : i32
      %ne3A_282 = arith.cmpi ne, %rem3A, %ne3A_281 : i32
      %and3A = arith.andi %ne3A, %ne3A_282 : i1
      %sub3A = arith.constant 1 : i32
      %sub3A_283 = arith.subi %div3A, %sub3A : i32
      %select_n3A = arith.select %and3A, %sub3A_283, %div3A : i32
      %jit3A_284 = arith.constant 8 : i32
      %eq3A = arith.constant 0 : i32
      %eq3A_285 = arith.cmpi eq, %jit3A_284, %eq3A : i32
      %jit3A_286 = arith.constant 1 : i32
      %select_n3A_287 = arith.select %eq3A_285, %jit3A_286, %jit3A_284 : i32
      %rem3A_288 = arith.remsi %scan3A_266, %select_n3A_287 : i32
      %ne3A_289 = arith.constant 0 : i32
      %ne3A_290 = arith.cmpi ne, %rem3A_288, %ne3A_289 : i32
      %lt3A = arith.constant 0 : i32
      %lt3A_291 = arith.cmpi slt, %rem3A_288, %lt3A : i32
      %lt3A_292 = arith.constant 0 : i32
      %lt3A_293 = arith.cmpi slt, %select_n3A_287, %lt3A_292 : i32
      %ne3A_294 = arith.xori %lt3A_291, %lt3A_293 : i1
      %and3A_295 = arith.andi %ne3A_294, %ne3A_290 : i1
      %add3A_296 = arith.addi %rem3A_288, %select_n3A_287 : i32
      %select_n3A_297 = arith.select %and3A_295, %add3A_296, %rem3A_288 : i32
      %mul3A_298 = arith.constant 16 : i32
      %mul3A_299 = arith.muli %select_n3A_297, %mul3A_298 : i32
      %broadcast_in_dim3A = arith.constant 0.000000e+00 : f32
      %broadcast_in_dim3A_300 = vector.broadcast %broadcast_in_dim3A : f32 to vector<16xf32>
      %swap3A_301 = arith.index_cast %select_n3A : i32 to index
      %swap3A_302 = arith.index_cast %mul3A_299 : i32 to index
      %swap3A_303 = tpu.vector_load %arg10[%swap3A_301, %swap3A_302] {strides = array<i32>} : memref<80x128xf32, #tpu.memory_space<vmem>>, vector<1x16xf32>,
      %swap3A_304 = vector.shape_cast %swap3A_303 : vector<1x16xf32> to vector<16xf32>
      %swap3A_305 = vector.shape_cast %broadcast_in_dim3A_300 : vector<16xf32> to vector<1x16xf32>
      tpu.vector_store %arg10[%swap3A_301, %swap3A_302], %swap3A_305 {strides = array<i32>} : memref<80x128xf32, #tpu.memory_space<vmem>>, vector<1x16xf32>,
      %scan3A_306 = arith.constant 0 : i32
      scf.yield %scan3A_306 : i32
    }
    %scan3A_13 = arith.constant 640 : i32
    %mul3A_14 = arith.constant 624 : i32
    %mul3A_15 = arith.muli %arg1, %mul3A_14 : i32
    %add3A_16 = arith.constant 0 : i32
    %add3A_17 = arith.addi %mul3A_15, %add3A_16 : i32
    %add3A_18 = arith.constant 80 : i32
    %add3A_19 = arith.addi %mul3A_15, %add3A_18 : i32
    %add3A_20 = arith.constant 160 : i32
    %add3A_21 = arith.addi %mul3A_15, %add3A_20 : i32
    %add3A_22 = arith.constant 240 : i32
    %add3A_23 = arith.addi %mul3A_15, %add3A_22 : i32
    %add3A_24 = arith.constant 320 : i32
    %add3A_25 = arith.addi %mul3A_15, %add3A_24 : i32
    %add3A_26 = arith.constant 400 : i32
    %add3A_27 = arith.addi %mul3A_15, %add3A_26 : i32
    %add3A_28 = arith.constant 480 : i32
    %add3A_29 = arith.addi %mul3A_15, %add3A_28 : i32
    %add3A_30 = arith.constant 560 : i32
    %add3A_31 = arith.addi %mul3A_15, %add3A_30 : i32
    %dma_start3A_32 = arith.constant 0 : i32
    %dma_start3A_33 = tpu.memref_slice %arg12[%add3A_17, %dma_start3A_32] : memref<10000x128xf32, #tpu.memory_space<vmem_shared>> -> memref<80x128xf32, #tpu.memory_space<vmem_shared>>
    %dma_start3A_34 = arith.constant 0 : i32
    %dma_start3A_35 = tpu.memref_slice %arg12[%add3A_17, %dma_start3A_34] : memref<10000x128xf32, #tpu.memory_space<vmem_shared>> -> memref<80x128xf32, #tpu.memory_space<vmem_shared>>
    tpu.enqueue_dma source(%arg10 : memref<80x128xf32, #tpu.memory_space<vmem>>) target(%dma_start3A_35 : memref<80x128xf32, #tpu.memory_space<vmem_shared>>) target_semaphore(%arg14 : memref<!tpu.dma_semaphore, #tpu.memory_space<semaphore_mem>>)
    %dma_start3A_36 = arith.constant 0 : i32
    %dma_start3A_37 = tpu.memref_slice %arg12[%add3A_19, %dma_start3A_36] : memref<10000x128xf32, #tpu.memory_space<vmem_shared>> -> memref<80x128xf32, #tpu.memory_space<vmem_shared>>
    %dma_start3A_38 = arith.constant 0 : i32
    %dma_start3A_39 = tpu.memref_slice %arg12[%add3A_19, %dma_start3A_38] : memref<10000x128xf32, #tpu.memory_space<vmem_shared>> -> memref<80x128xf32, #tpu.memory_space<vmem_shared>>
    tpu.enqueue_dma source(%arg10 : memref<80x128xf32, #tpu.memory_space<vmem>>) target(%dma_start3A_39 : memref<80x128xf32, #tpu.memory_space<vmem_shared>>) target_semaphore(%arg14 : memref<!tpu.dma_semaphore, #tpu.memory_space<semaphore_mem>>)
    %dma_start3A_40 = arith.constant 0 : i32
    %dma_start3A_41 = tpu.memref_slice %arg12[%add3A_21, %dma_start3A_40] : memref<10000x128xf32, #tpu.memory_space<vmem_shared>> -> memref<80x128xf32, #tpu.memory_space<vmem_shared>>
    %dma_start3A_42 = arith.constant 0 : i32
    %dma_start3A_43 = tpu.memref_slice %arg12[%add3A_21, %dma_start3A_42] : memref<10000x128xf32, #tpu.memory_space<vmem_shared>> -> memref<80x128xf32, #tpu.memory_space<vmem_shared>>
    tpu.enqueue_dma source(%arg10 : memref<80x128xf32, #tpu.memory_space<vmem>>) target(%dma_start3A_43 : memref<80x128xf32, #tpu.memory_space<vmem_shared>>) target_semaphore(%arg14 : memref<!tpu.dma_semaphore, #tpu.memory_space<semaphore_mem>>)
    %dma_start3A_44 = arith.constant 0 : i32
    %dma_start3A_45 = tpu.memref_slice %arg12[%add3A_23, %dma_start3A_44] : memref<10000x128xf32, #tpu.memory_space<vmem_shared>> -> memref<80x128xf32, #tpu.memory_space<vmem_shared>>
    %dma_start3A_46 = arith.constant 0 : i32
    %dma_start3A_47 = tpu.memref_slice %arg12[%add3A_23, %dma_start3A_46] : memref<10000x128xf32, #tpu.memory_space<vmem_shared>> -> memref<80x128xf32, #tpu.memory_space<vmem_shared>>
    tpu.enqueue_dma source(%arg10 : memref<80x128xf32, #tpu.memory_space<vmem>>) target(%dma_start3A_47 : memref<80x128xf32, #tpu.memory_space<vmem_shared>>) target_semaphore(%arg14 : memref<!tpu.dma_semaphore, #tpu.memory_space<semaphore_mem>>)
    %dma_start3A_48 = arith.constant 0 : i32
    %dma_start3A_49 = tpu.memref_slice %arg12[%add3A_25, %dma_start3A_48] : memref<10000x128xf32, #tpu.memory_space<vmem_shared>> -> memref<80x128xf32, #tpu.memory_space<vmem_shared>>
    %dma_start3A_50 = arith.constant 0 : i32
    %dma_start3A_51 = tpu.memref_slice %arg12[%add3A_25, %dma_start3A_50] : memref<10000x128xf32, #tpu.memory_space<vmem_shared>> -> memref<80x128xf32, #tpu.memory_space<vmem_shared>>
    tpu.enqueue_dma source(%arg10 : memref<80x128xf32, #tpu.memory_space<vmem>>) target(%dma_start3A_51 : memref<80x128xf32, #tpu.memory_space<vmem_shared>>) target_semaphore(%arg14 : memref<!tpu.dma_semaphore, #tpu.memory_space<semaphore_mem>>)
    %dma_start3A_52 = arith.constant 0 : i32
    %dma_start3A_53 = tpu.memref_slice %arg12[%add3A_27, %dma_start3A_52] : memref<10000x128xf32, #tpu.memory_space<vmem_shared>> -> memref<80x128xf32, #tpu.memory_space<vmem_shared>>
    %dma_start3A_54 = arith.constant 0 : i32
    %dma_start3A_55 = tpu.memref_slice %arg12[%add3A_27, %dma_start3A_54] : memref<10000x128xf32, #tpu.memory_space<vmem_shared>> -> memref<80x128xf32, #tpu.memory_space<vmem_shared>>
    tpu.enqueue_dma source(%arg10 : memref<80x128xf32, #tpu.memory_space<vmem>>) target(%dma_start3A_55 : memref<80x128xf32, #tpu.memory_space<vmem_shared>>) target_semaphore(%arg14 : memref<!tpu.dma_semaphore, #tpu.memory_space<semaphore_mem>>)
    %dma_start3A_56 = arith.constant 0 : i32
    %dma_start3A_57 = tpu.memref_slice %arg12[%add3A_29, %dma_start3A_56] : memref<10000x128xf32, #tpu.memory_space<vmem_shared>> -> memref<80x128xf32, #tpu.memory_space<vmem_shared>>
    %dma_start3A_58 = arith.constant 0 : i32
    %dma_start3A_59 = tpu.memref_slice %arg12[%add3A_29, %dma_start3A_58] : memref<10000x128xf32, #tpu.memory_space<vmem_shared>> -> memref<80x128xf32, #tpu.memory_space<vmem_shared>>
    tpu.enqueue_dma source(%arg10 : memref<80x128xf32, #tpu.memory_space<vmem>>) target(%dma_start3A_59 : memref<80x128xf32, #tpu.memory_space<vmem_shared>>) target_semaphore(%arg14 : memref<!tpu.dma_semaphore, #tpu.memory_space<semaphore_mem>>)
    %dma_start3A_60 = arith.constant 0 : i32
    %dma_start3A_61 = tpu.memref_slice %arg12[%add3A_31, %dma_start3A_60] : memref<10000x128xf32, #tpu.memory_space<vmem_shared>> -> memref<80x128xf32, #tpu.memory_space<vmem_shared>>
    %dma_start3A_62 = arith.constant 0 : i32
    %dma_start3A_63 = tpu.memref_slice %arg12[%add3A_31, %dma_start3A_62] : memref<10000x128xf32, #tpu.memory_space<vmem_shared>> -> memref<80x128xf32, #tpu.memory_space<vmem_shared>>
    tpu.enqueue_dma source(%arg10 : memref<80x128xf32, #tpu.memory_space<vmem>>) target(%dma_start3A_63 : memref<80x128xf32, #tpu.memory_space<vmem_shared>>) target_semaphore(%arg14 : memref<!tpu.dma_semaphore, #tpu.memory_space<semaphore_mem>>)
    %dma_wait3A = arith.constant 0 : i32
    %dma_wait3A_64 = tpu.memref_slice %arg12[%add3A_17, %dma_wait3A] : memref<10000x128xf32, #tpu.memory_space<vmem_shared>> -> memref<80x128xf32, #tpu.memory_space<vmem_shared>>
    %dma_wait3A_65 = arith.constant 0 : i32
    %dma_wait3A_66 = tpu.memref_slice %arg12[%add3A_17, %dma_wait3A_65] : memref<10000x128xf32, #tpu.memory_space<vmem_shared>> -> memref<80x128xf32, #tpu.memory_space<vmem_shared>>
    tpu.wait_dma2 semaphore(%arg14 : memref<!tpu.dma_semaphore, #tpu.memory_space<semaphore_mem>>) src(%arg10 : memref<80x128xf32, #tpu.memory_space<vmem>>) dst(%dma_wait3A_66 : memref<80x128xf32, #tpu.memory_space<vmem_shared>>)
    %dma_wait3A_67 = arith.constant 0 : i32
    %dma_wait3A_68 = tpu.memref_slice %arg12[%add3A_19, %dma_wait3A_67] : memref<10000x128xf32, #tpu.memory_space<vmem_shared>> -> memref<80x128xf32, #tpu.memory_space<vmem_shared>>
    %dma_wait3A_69 = arith.constant 0 : i32
    %dma_wait3A_70 = tpu.memref_slice %arg12[%add3A_19, %dma_wait3A_69] : memref<10000x128xf32, #tpu.memory_space<vmem_shared>> -> memref<80x128xf32, #tpu.memory_space<vmem_shared>>
    tpu.wait_dma2 semaphore(%arg14 : memref<!tpu.dma_semaphore, #tpu.memory_space<semaphore_mem>>) src(%arg10 : memref<80x128xf32, #tpu.memory_space<vmem>>) dst(%dma_wait3A_70 : memref<80x128xf32, #tpu.memory_space<vmem_shared>>)
    %dma_wait3A_71 = arith.constant 0 : i32
    %dma_wait3A_72 = tpu.memref_slice %arg12[%add3A_21, %dma_wait3A_71] : memref<10000x128xf32, #tpu.memory_space<vmem_shared>> -> memref<80x128xf32, #tpu.memory_space<vmem_shared>>
    %dma_wait3A_73 = arith.constant 0 : i32
    %dma_wait3A_74 = tpu.memref_slice %arg12[%add3A_21, %dma_wait3A_73] : memref<10000x128xf32, #tpu.memory_space<vmem_shared>> -> memref<80x128xf32, #tpu.memory_space<vmem_shared>>
    tpu.wait_dma2 semaphore(%arg14 : memref<!tpu.dma_semaphore, #tpu.memory_space<semaphore_mem>>) src(%arg10 : memref<80x128xf32, #tpu.memory_space<vmem>>) dst(%dma_wait3A_74 : memref<80x128xf32, #tpu.memory_space<vmem_shared>>)
    %dma_wait3A_75 = arith.constant 0 : i32
    %dma_wait3A_76 = tpu.memref_slice %arg12[%add3A_23, %dma_wait3A_75] : memref<10000x128xf32, #tpu.memory_space<vmem_shared>> -> memref<80x128xf32, #tpu.memory_space<vmem_shared>>
    %dma_wait3A_77 = arith.constant 0 : i32
    %dma_wait3A_78 = tpu.memref_slice %arg12[%add3A_23, %dma_wait3A_77] : memref<10000x128xf32, #tpu.memory_space<vmem_shared>> -> memref<80x128xf32, #tpu.memory_space<vmem_shared>>
    tpu.wait_dma2 semaphore(%arg14 : memref<!tpu.dma_semaphore, #tpu.memory_space<semaphore_mem>>) src(%arg10 : memref<80x128xf32, #tpu.memory_space<vmem>>) dst(%dma_wait3A_78 : memref<80x128xf32, #tpu.memory_space<vmem_shared>>)
    %dma_wait3A_79 = arith.constant 0 : i32
    %dma_wait3A_80 = tpu.memref_slice %arg12[%add3A_25, %dma_wait3A_79] : memref<10000x128xf32, #tpu.memory_space<vmem_shared>> -> memref<80x128xf32, #tpu.memory_space<vmem_shared>>
    %dma_wait3A_81 = arith.constant 0 : i32
    %dma_wait3A_82 = tpu.memref_slice %arg12[%add3A_25, %dma_wait3A_81] : memref<10000x128xf32, #tpu.memory_space<vmem_shared>> -> memref<80x128xf32, #tpu.memory_space<vmem_shared>>
    tpu.wait_dma2 semaphore(%arg14 : memref<!tpu.dma_semaphore, #tpu.memory_space<semaphore_mem>>) src(%arg10 : memref<80x128xf32, #tpu.memory_space<vmem>>) dst(%dma_wait3A_82 : memref<80x128xf32, #tpu.memory_space<vmem_shared>>)
    %dma_wait3A_83 = arith.constant 0 : i32
    %dma_wait3A_84 = tpu.memref_slice %arg12[%add3A_27, %dma_wait3A_83] : memref<10000x128xf32, #tpu.memory_space<vmem_shared>> -> memref<80x128xf32, #tpu.memory_space<vmem_shared>>
    %dma_wait3A_85 = arith.constant 0 : i32
    %dma_wait3A_86 = tpu.memref_slice %arg12[%add3A_27, %dma_wait3A_85] : memref<10000x128xf32, #tpu.memory_space<vmem_shared>> -> memref<80x128xf32, #tpu.memory_space<vmem_shared>>
    tpu.wait_dma2 semaphore(%arg14 : memref<!tpu.dma_semaphore, #tpu.memory_space<semaphore_mem>>) src(%arg10 : memref<80x128xf32, #tpu.memory_space<vmem>>) dst(%dma_wait3A_86 : memref<80x128xf32, #tpu.memory_space<vmem_shared>>)
    %dma_wait3A_87 = arith.constant 0 : i32
    %dma_wait3A_88 = tpu.memref_slice %arg12[%add3A_29, %dma_wait3A_87] : memref<10000x128xf32, #tpu.memory_space<vmem_shared>> -> memref<80x128xf32, #tpu.memory_space<vmem_shared>>
    %dma_wait3A_89 = arith.constant 0 : i32
    %dma_wait3A_90 = tpu.memref_slice %arg12[%add3A_29, %dma_wait3A_89] : memref<10000x128xf32, #tpu.memory_space<vmem_shared>> -> memref<80x128xf32, #tpu.memory_space<vmem_shared>>
    tpu.wait_dma2 semaphore(%arg14 : memref<!tpu.dma_semaphore, #tpu.memory_space<semaphore_mem>>) src(%arg10 : memref<80x128xf32, #tpu.memory_space<vmem>>) dst(%dma_wait3A_90 : memref<80x128xf32, #tpu.memory_space<vmem_shared>>)
    %dma_wait3A_91 = arith.constant 0 : i32
    %dma_wait3A_92 = tpu.memref_slice %arg12[%add3A_31, %dma_wait3A_91] : memref<10000x128xf32, #tpu.memory_space<vmem_shared>> -> memref<80x128xf32, #tpu.memory_space<vmem_shared>>
    %dma_wait3A_93 = arith.constant 0 : i32
    %dma_wait3A_94 = tpu.memref_slice %arg12[%add3A_31, %dma_wait3A_93] : memref<10000x128xf32, #tpu.memory_space<vmem_shared>> -> memref<80x128xf32, #tpu.memory_space<vmem_shared>>
    tpu.wait_dma2 semaphore(%arg14 : memref<!tpu.dma_semaphore, #tpu.memory_space<semaphore_mem>>) src(%arg10 : memref<80x128xf32, #tpu.memory_space<vmem>>) dst(%dma_wait3A_94 : memref<80x128xf32, #tpu.memory_space<vmem_shared>>)
    %mul3A_95 = arith.constant 10000 : i32
    %mul3A_96 = arith.muli %add3A, %mul3A_95 : i32
    %dma_wait3A_97 = tpu.memref_slice %arg2[%mul3A_96] : memref<320000xi32, #tpu.memory_space<hbm>> -> memref<10000xi32, #tpu.memory_space<hbm>>
    %dma_wait3A_98 = tpu.memref_slice %arg2[%mul3A_96] : memref<320000xi32, #tpu.memory_space<hbm>> -> memref<10000xi32, #tpu.memory_space<hbm>>
    tpu.wait_dma2 semaphore(%arg15 : memref<!tpu.dma_semaphore, #tpu.memory_space<semaphore_mem>>) src(%dma_wait3A_98 : memref<10000xi32, #tpu.memory_space<hbm>>) dst(%arg6 : memref<10000xi32, #tpu.memory_space<vmem>>)
    %mul3A_99 = arith.constant 10000 : i32
    %mul3A_100 = arith.muli %add3A, %mul3A_99 : i32
    %dma_wait3A_101 = tpu.memref_slice %arg3[%mul3A_100] : memref<320000xi32, #tpu.memory_space<hbm>> -> memref<10000xi32, #tpu.memory_space<hbm>>
    %dma_wait3A_102 = tpu.memref_slice %arg3[%mul3A_100] : memref<320000xi32, #tpu.memory_space<hbm>> -> memref<10000xi32, #tpu.memory_space<hbm>>
    tpu.wait_dma2 semaphore(%arg16 : memref<!tpu.dma_semaphore, #tpu.memory_space<semaphore_mem>>) src(%dma_wait3A_102 : memref<10000xi32, #tpu.memory_space<hbm>>) dst(%arg7 : memref<10000xi32, #tpu.memory_space<vmem>>)
    %barrier3A = arith.constant 0 : index
    tpu.barrier barrier_id(%barrier3A)
    %dma_start3A_103 = arith.constant 0 : i32
    %dma_start3A_104 = tpu.memref_slice %arg6[%dma_start3A_103] : memref<10000xi32, #tpu.memory_space<vmem>> -> memref<80xi32, #tpu.memory_space<vmem>>
    %dma_start3A_105 = arith.constant 0 : i32
    %dma_start3A_106 = arith.constant 0 : i32
    %dma_start3A_107 = tpu.memref_slice %arg4[%dma_start3A_105, %dma_start3A_106] : memref<10000x128xf32, #tpu.memory_space<hbm>> -> memref<10000x128xf32, #tpu.memory_space<hbm>>
    tpu.enqueue_indirect_dma source(%dma_start3A_107 : memref<10000x128xf32, #tpu.memory_space<hbm>>) target(%arg10 : memref<80x128xf32, #tpu.memory_space<vmem>>) offsets(%dma_start3A_104 : memref<80xi32, #tpu.memory_space<vmem>>) semaphore(%arg13 : memref<!tpu.dma_semaphore, #tpu.memory_space<semaphore_mem>>)
    %scan3A_108 = arith.constant 0 : i32
    %scan3A_109 = arith.constant 0 : i32
    %scan3A_110 = arith.constant 62 : i32
    %scan3A_111 = arith.addi %scan3A_109, %scan3A_110 : i32
    %scan3A_112 = arith.constant 1 : i32
    %scan3A_113 = scf.for %scan3A_266 = %scan3A_109 to %scan3A_111 step %scan3A_112 iter_args(%scan3A_267 = %scan3A_108) -> (i32)  : i32 {
      %mul3A_268 = arith.constant 2 : i32
      %mul3A_269 = arith.muli %scan3A_266, %mul3A_268 : i32
      %add3A_270 = arith.constant 1 : i32
      %add3A_271 = arith.addi %mul3A_269, %add3A_270 : i32
      %mul3A_272 = arith.constant 80 : i32
      %mul3A_273 = arith.muli %add3A_271, %mul3A_272 : i32
      %dma_start3A_274 = tpu.memref_slice %arg6[%mul3A_273] : memref<10000xi32, #tpu.memory_space<vmem>> -> memref<80xi32, #tpu.memory_space<vmem>>
      %dma_start3A_275 = arith.constant 0 : i32
      %dma_start3A_276 = arith.constant 0 : i32
      %dma_start3A_277 = tpu.memref_slice %arg4[%dma_start3A_275, %dma_start3A_276] : memref<10000x128xf32, #tpu.memory_space<hbm>> -> memref<10000x128xf32, #tpu.memory_space<hbm>>
      tpu.enqueue_indirect_dma source(%dma_start3A_277 : memref<10000x128xf32, #tpu.memory_space<hbm>>) target(%arg11 : memref<80x128xf32, #tpu.memory_space<vmem>>) offsets(%dma_start3A_274 : memref<80xi32, #tpu.memory_space<vmem>>) semaphore(%arg14 : memref<!tpu.dma_semaphore, #tpu.memory_space<semaphore_mem>>)
      %dma_wait3A_278 = arith.constant 0 : i32
      %dma_wait3A_279 = tpu.memref_slice %arg6[%dma_wait3A_278] : memref<10000xi32, #tpu.memory_space<vmem>> -> memref<80xi32, #tpu.memory_space<vmem>>
      %dma_wait3A_280 = arith.constant 0 : i32
      %dma_wait3A_281 = arith.constant 0 : i32
      %dma_wait3A_282 = tpu.memref_slice %arg4[%dma_wait3A_280, %dma_wait3A_281] : memref<10000x128xf32, #tpu.memory_space<hbm>> -> memref<10000x128xf32, #tpu.memory_space<hbm>>
      tpu.wait_indirect_dma semaphore(%arg13 : memref<!tpu.dma_semaphore, #tpu.memory_space<semaphore_mem>>) src(%dma_wait3A_282 : memref<10000x128xf32, #tpu.memory_space<hbm>>) dst(%arg10 : memref<80x128xf32, #tpu.memory_space<vmem>>)
      %mul3A_283 = arith.constant 80 : i32
      %mul3A_284 = arith.muli %mul3A_269, %mul3A_283 : i32
      %add3A_285 = arith.constant 0 : i32
      %add3A_286 = arith.addi %mul3A_284, %add3A_285 : i32
      %get3A_287 = arith.index_cast %add3A_286 : i32 to index
      %get3A_288 = tpu.vector_load %arg7[%get3A_287] {strides = array<i32>} : memref<10000xi32, #tpu.memory_space<vmem>>, vector<16xi32>,
      %get3A_289 = vector.shape_cast %get3A_288 : vector<16xi32> to vector<16xi32>
      %swap3A_290 = arith.constant 0 : index
      %swap3A_291 = tpu.vector_load %arg8[%swap3A_290] {strides = array<i32>} : memref<80xi32, #tpu.memory_space<vmem>>, vector<16xi32>,
      %swap3A_292 = vector.shape_cast %swap3A_291 : vector<16xi32> to vector<16xi32>
      %swap3A_293 = vector.shape_cast %get3A_289 : vector<16xi32> to vector<16xi32>
      tpu.vector_store %arg8[%swap3A_290], %swap3A_293 {strides = array<i32>} : memref<80xi32, #tpu.memory_space<vmem>>, vector<16xi32>,
      %mul3A_294 = arith.constant 80 : i32
      %mul3A_295 = arith.muli %mul3A_269, %mul3A_294 : i32
      %add3A_296 = arith.constant 16 : i32
      %add3A_297 = arith.addi %mul3A_295, %add3A_296 : i32
      %get3A_298 = arith.index_cast %add3A_297 : i32 to index
      %get3A_299 = tpu.vector_load %arg7[%get3A_298] {strides = array<i32>} : memref<10000xi32, #tpu.memory_space<vmem>>, vector<16xi32>,
      %get3A_300 = vector.shape_cast %get3A_299 : vector<16xi32> to vector<16xi32>
      %swap3A_301 = arith.constant 16 : index
      %swap3A_302 = tpu.vector_load %arg8[%swap3A_301] {strides = array<i32>} : memref<80xi32, #tpu.memory_space<vmem>>, vector<16xi32>,
      %swap3A_303 = vector.shape_cast %swap3A_302 : vector<16xi32> to vector<16xi32>
      %swap3A_304 = vector.shape_cast %get3A_300 : vector<16xi32> to vector<16xi32>
      tpu.vector_store %arg8[%swap3A_301], %swap3A_304 {strides = array<i32>} : memref<80xi32, #tpu.memory_space<vmem>>, vector<16xi32>,
      %mul3A_305 = arith.constant 80 : i32
      %mul3A_306 = arith.muli %mul3A_269, %mul3A_305 : i32
      %add3A_307 = arith.constant 32 : i32
      %add3A_308 = arith.addi %mul3A_306, %add3A_307 : i32
      %get3A_309 = arith.index_cast %add3A_308 : i32 to index
      %get3A_310 = tpu.vector_load %arg7[%get3A_309] {strides = array<i32>} : memref<10000xi32, #tpu.memory_space<vmem>>, vector<16xi32>,
      %get3A_311 = vector.shape_cast %get3A_310 : vector<16xi32> to vector<16xi32>
      %swap3A_312 = arith.constant 32 : index
      %swap3A_313 = tpu.vector_load %arg8[%swap3A_312] {strides = array<i32>} : memref<80xi32, #tpu.memory_space<vmem>>, vector<16xi32>,
      %swap3A_314 = vector.shape_cast %swap3A_313 : vector<16xi32> to vector<16xi32>
      %swap3A_315 = vector.shape_cast %get3A_311 : vector<16xi32> to vector<16xi32>
      tpu.vector_store %arg8[%swap3A_312], %swap3A_315 {strides = array<i32>} : memref<80xi32, #tpu.memory_space<vmem>>, vector<16xi32>,
      %mul3A_316 = arith.constant 80 : i32
      %mul3A_317 = arith.muli %mul3A_269, %mul3A_316 : i32
      %add3A_318 = arith.constant 48 : i32
      %add3A_319 = arith.addi %mul3A_317, %add3A_318 : i32
      %get3A_320 = arith.index_cast %add3A_319 : i32 to index
      %get3A_321 = tpu.vector_load %arg7[%get3A_320] {strides = array<i32>} : memref<10000xi32, #tpu.memory_space<vmem>>, vector<16xi32>,
      %get3A_322 = vector.shape_cast %get3A_321 : vector<16xi32> to vector<16xi32>
      %swap3A_323 = arith.constant 48 : index
      %swap3A_324 = tpu.vector_load %arg8[%swap3A_323] {strides = array<i32>} : memref<80xi32, #tpu.memory_space<vmem>>, vector<16xi32>,
      %swap3A_325 = vector.shape_cast %swap3A_324 : vector<16xi32> to vector<16xi32>
      %swap3A_326 = vector.shape_cast %get3A_322 : vector<16xi32> to vector<16xi32>
      tpu.vector_store %arg8[%swap3A_323], %swap3A_326 {strides = array<i32>} : memref<80xi32, #tpu.memory_space<vmem>>, vector<16xi32>,
      %mul3A_327 = arith.constant 80 : i32
      %mul3A_328 = arith.muli %mul3A_269, %mul3A_327 : i32
      %add3A_329 = arith.constant 64 : i32
      %add3A_330 = arith.addi %mul3A_328, %add3A_329 : i32
      %get3A_331 = arith.index_cast %add3A_330 : i32 to index
      %get3A_332 = tpu.vector_load %arg7[%get3A_331] {strides = array<i32>} : memref<10000xi32, #tpu.memory_space<vmem>>, vector<16xi32>,
      %get3A_333 = vector.shape_cast %get3A_332 : vector<16xi32> to vector<16xi32>
      %swap3A_334 = arith.constant 64 : index
      %swap3A_335 = tpu.vector_load %arg8[%swap3A_334] {strides = array<i32>} : memref<80xi32, #tpu.memory_space<vmem>>, vector<16xi32>,
      %swap3A_336 = vector.shape_cast %swap3A_335 : vector<16xi32> to vector<16xi32>
      %swap3A_337 = vector.shape_cast %get3A_333 : vector<16xi32> to vector<16xi32>
      tpu.vector_store %arg8[%swap3A_334], %swap3A_337 {strides = array<i32>} : memref<80xi32, #tpu.memory_space<vmem>>, vector<16xi32>,
      "tpu.region"() ({
        %run_scoped3A = tpu.sem_alloc : memref<!tpu.dma_semaphore, #tpu.memory_space<semaphore_mem>>
        %dma_start3A_407 = arith.constant 0 : i32
        %dma_start3A_408 = arith.constant 0 : i32
        %dma_start3A_409 = tpu.memref_slice %arg12[%dma_start3A_407, %dma_start3A_408] : memref<10000x128xf32, #tpu.memory_space<vmem_shared>> -> memref<10000x128xf32, #tpu.memory_space<vmem_shared>>
        tpu.enqueue_indirect_dma source(%arg10 : memref<80x128xf32, #tpu.memory_space<vmem>>) target(%dma_start3A_409 : memref<10000x128xf32, #tpu.memory_space<vmem_shared>>) offsets(%arg8 : memref<80xi32, #tpu.memory_space<vmem>>) semaphore(%run_scoped3A : memref<!tpu.dma_semaphore, #tpu.memory_space<semaphore_mem>>) {add = true}
        %dma_wait3A_410 = arith.constant 0 : i32
        %dma_wait3A_411 = arith.constant 0 : i32
        %dma_wait3A_412 = tpu.memref_slice %arg12[%dma_wait3A_410, %dma_wait3A_411] : memref<10000x128xf32, #tpu.memory_space<vmem_shared>> -> memref<10000x128xf32, #tpu.memory_space<vmem_shared>>
        tpu.wait_indirect_dma semaphore(%run_scoped3A : memref<!tpu.dma_semaphore, #tpu.memory_space<semaphore_mem>>) src(%arg10 : memref<80x128xf32, #tpu.memory_space<vmem>>) dst(%dma_wait3A_412 : memref<10000x128xf32, #tpu.memory_space<vmem_shared>>)
        tpu.yield
      }) : () -> ()
      %add3A_338 = arith.constant 2 : i32
      %add3A_339 = arith.addi %mul3A_269, %add3A_338 : i32
      %mul3A_340 = arith.constant 80 : i32
      %mul3A_341 = arith.muli %add3A_339, %mul3A_340 : i32
      %dma_start3A_342 = tpu.memref_slice %arg6[%mul3A_341] : memref<10000xi32, #tpu.memory_space<vmem>> -> memref<80xi32, #tpu.memory_space<vmem>>
      %dma_start3A_343 = arith.constant 0 : i32
      %dma_start3A_344 = arith.constant 0 : i32
      %dma_start3A_345 = tpu.memref_slice %arg4[%dma_start3A_343, %dma_start3A_344] : memref<10000x128xf32, #tpu.memory_space<hbm>> -> memref<10000x128xf32, #tpu.memory_space<hbm>>
      tpu.enqueue_indirect_dma source(%dma_start3A_345 : memref<10000x128xf32, #tpu.memory_space<hbm>>) target(%arg10 : memref<80x128xf32, #tpu.memory_space<vmem>>) offsets(%dma_start3A_342 : memref<80xi32, #tpu.memory_space<vmem>>) semaphore(%arg13 : memref<!tpu.dma_semaphore, #tpu.memory_space<semaphore_mem>>)
      %dma_wait3A_346 = arith.constant 0 : i32
      %dma_wait3A_347 = tpu.memref_slice %arg6[%dma_wait3A_346] : memref<10000xi32, #tpu.memory_space<vmem>> -> memref<80xi32, #tpu.memory_space<vmem>>
      %dma_wait3A_348 = arith.constant 0 : i32
      %dma_wait3A_349 = arith.constant 0 : i32
      %dma_wait3A_350 = tpu.memref_slice %arg4[%dma_wait3A_348, %dma_wait3A_349] : memref<10000x128xf32, #tpu.memory_space<hbm>> -> memref<10000x128xf32, #tpu.memory_space<hbm>>
      tpu.wait_indirect_dma semaphore(%arg14 : memref<!tpu.dma_semaphore, #tpu.memory_space<semaphore_mem>>) src(%dma_wait3A_350 : memref<10000x128xf32, #tpu.memory_space<hbm>>) dst(%arg11 : memref<80x128xf32, #tpu.memory_space<vmem>>)
      %mul3A_351 = arith.constant 80 : i32
      %mul3A_352 = arith.muli %add3A_271, %mul3A_351 : i32
      %add3A_353 = arith.constant 0 : i32
      %add3A_354 = arith.addi %mul3A_352, %add3A_353 : i32
      %get3A_355 = arith.index_cast %add3A_354 : i32 to index
      %get3A_356 = tpu.vector_load %arg7[%get3A_355] {strides = array<i32>} : memref<10000xi32, #tpu.memory_space<vmem>>, vector<16xi32>,
      %get3A_357 = vector.shape_cast %get3A_356 : vector<16xi32> to vector<16xi32>
      %swap3A_358 = arith.constant 0 : index
      %swap3A_359 = tpu.vector_load %arg9[%swap3A_358] {strides = array<i32>} : memref<80xi32, #tpu.memory_space<vmem>>, vector<16xi32>,
      %swap3A_360 = vector.shape_cast %swap3A_359 : vector<16xi32> to vector<16xi32>
      %swap3A_361 = vector.shape_cast %get3A_357 : vector<16xi32> to vector<16xi32>
      tpu.vector_store %arg9[%swap3A_358], %swap3A_361 {strides = array<i32>} : memref<80xi32, #tpu.memory_space<vmem>>, vector<16xi32>,
      %mul3A_362 = arith.constant 80 : i32
      %mul3A_363 = arith.muli %add3A_271, %mul3A_362 : i32
      %add3A_364 = arith.constant 16 : i32
      %add3A_365 = arith.addi %mul3A_363, %add3A_364 : i32
      %get3A_366 = arith.index_cast %add3A_365 : i32 to index
      %get3A_367 = tpu.vector_load %arg7[%get3A_366] {strides = array<i32>} : memref<10000xi32, #tpu.memory_space<vmem>>, vector<16xi32>,
      %get3A_368 = vector.shape_cast %get3A_367 : vector<16xi32> to vector<16xi32>
      %swap3A_369 = arith.constant 16 : index
      %swap3A_370 = tpu.vector_load %arg9[%swap3A_369] {strides = array<i32>} : memref<80xi32, #tpu.memory_space<vmem>>, vector<16xi32>,
      %swap3A_371 = vector.shape_cast %swap3A_370 : vector<16xi32> to vector<16xi32>
      %swap3A_372 = vector.shape_cast %get3A_368 : vector<16xi32> to vector<16xi32>
      tpu.vector_store %arg9[%swap3A_369], %swap3A_372 {strides = array<i32>} : memref<80xi32, #tpu.memory_space<vmem>>, vector<16xi32>,
      %mul3A_373 = arith.constant 80 : i32
      %mul3A_374 = arith.muli %add3A_271, %mul3A_373 : i32
      %add3A_375 = arith.constant 32 : i32
      %add3A_376 = arith.addi %mul3A_374, %add3A_375 : i32
      %get3A_377 = arith.index_cast %add3A_376 : i32 to index
      %get3A_378 = tpu.vector_load %arg7[%get3A_377] {strides = array<i32>} : memref<10000xi32, #tpu.memory_space<vmem>>, vector<16xi32>,
      %get3A_379 = vector.shape_cast %get3A_378 : vector<16xi32> to vector<16xi32>
      %swap3A_380 = arith.constant 32 : index
      %swap3A_381 = tpu.vector_load %arg9[%swap3A_380] {strides = array<i32>} : memref<80xi32, #tpu.memory_space<vmem>>, vector<16xi32>,
      %swap3A_382 = vector.shape_cast %swap3A_381 : vector<16xi32> to vector<16xi32>
      %swap3A_383 = vector.shape_cast %get3A_379 : vector<16xi32> to vector<16xi32>
      tpu.vector_store %arg9[%swap3A_380], %swap3A_383 {strides = array<i32>} : memref<80xi32, #tpu.memory_space<vmem>>, vector<16xi32>,
      %mul3A_384 = arith.constant 80 : i32
      %mul3A_385 = arith.muli %add3A_271, %mul3A_384 : i32
      %add3A_386 = arith.constant 48 : i32
      %add3A_387 = arith.addi %mul3A_385, %add3A_386 : i32
      %get3A_388 = arith.index_cast %add3A_387 : i32 to index
      %get3A_389 = tpu.vector_load %arg7[%get3A_388] {strides = array<i32>} : memref<10000xi32, #tpu.memory_space<vmem>>, vector<16xi32>,
      %get3A_390 = vector.shape_cast %get3A_389 : vector<16xi32> to vector<16xi32>
      %swap3A_391 = arith.constant 48 : index
      %swap3A_392 = tpu.vector_load %arg9[%swap3A_391] {strides = array<i32>} : memref<80xi32, #tpu.memory_space<vmem>>, vector<16xi32>,
      %swap3A_393 = vector.shape_cast %swap3A_392 : vector<16xi32> to vector<16xi32>
      %swap3A_394 = vector.shape_cast %get3A_390 : vector<16xi32> to vector<16xi32>
      tpu.vector_store %arg9[%swap3A_391], %swap3A_394 {strides = array<i32>} : memref<80xi32, #tpu.memory_space<vmem>>, vector<16xi32>,
      %mul3A_395 = arith.constant 80 : i32
      %mul3A_396 = arith.muli %add3A_271, %mul3A_395 : i32
      %add3A_397 = arith.constant 64 : i32
      %add3A_398 = arith.addi %mul3A_396, %add3A_397 : i32
      %get3A_399 = arith.index_cast %add3A_398 : i32 to index
      %get3A_400 = tpu.vector_load %arg7[%get3A_399] {strides = array<i32>} : memref<10000xi32, #tpu.memory_space<vmem>>, vector<16xi32>,
      %get3A_401 = vector.shape_cast %get3A_400 : vector<16xi32> to vector<16xi32>
      %swap3A_402 = arith.constant 64 : index
      %swap3A_403 = tpu.vector_load %arg9[%swap3A_402] {strides = array<i32>} : memref<80xi32, #tpu.memory_space<vmem>>, vector<16xi32>,
      %swap3A_404 = vector.shape_cast %swap3A_403 : vector<16xi32> to vector<16xi32>
      %swap3A_405 = vector.shape_cast %get3A_401 : vector<16xi32> to vector<16xi32>
      tpu.vector_store %arg9[%swap3A_402], %swap3A_405 {strides = array<i32>} : memref<80xi32, #tpu.memory_space<vmem>>, vector<16xi32>,
      "tpu.region"() ({
        %run_scoped3A = tpu.sem_alloc : memref<!tpu.dma_semaphore, #tpu.memory_space<semaphore_mem>>
        %dma_start3A_407 = arith.constant 0 : i32
        %dma_start3A_408 = arith.constant 0 : i32
        %dma_start3A_409 = tpu.memref_slice %arg12[%dma_start3A_407, %dma_start3A_408] : memref<10000x128xf32, #tpu.memory_space<vmem_shared>> -> memref<10000x128xf32, #tpu.memory_space<vmem_shared>>
        tpu.enqueue_indirect_dma source(%arg11 : memref<80x128xf32, #tpu.memory_space<vmem>>) target(%dma_start3A_409 : memref<10000x128xf32, #tpu.memory_space<vmem_shared>>) offsets(%arg9 : memref<80xi32, #tpu.memory_space<vmem>>) semaphore(%run_scoped3A : memref<!tpu.dma_semaphore, #tpu.memory_space<semaphore_mem>>) {add = true}
        %dma_wait3A_410 = arith.constant 0 : i32
        %dma_wait3A_411 = arith.constant 0 : i32
        %dma_wait3A_412 = tpu.memref_slice %arg12[%dma_wait3A_410, %dma_wait3A_411] : memref<10000x128xf32, #tpu.memory_space<vmem_shared>> -> memref<10000x128xf32, #tpu.memory_space<vmem_shared>>
        tpu.wait_indirect_dma semaphore(%run_scoped3A : memref<!tpu.dma_semaphore, #tpu.memory_space<semaphore_mem>>) src(%arg11 : memref<80x128xf32, #tpu.memory_space<vmem>>) dst(%dma_wait3A_412 : memref<10000x128xf32, #tpu.memory_space<vmem_shared>>)
        tpu.yield
      }) : () -> ()
      %scan3A_406 = arith.constant 0 : i32
      scf.yield %scan3A_406 : i32
    }
    %scan3A_114 = arith.constant 62 : i32
    %dma_wait3A_115 = arith.constant 0 : i32
    %dma_wait3A_116 = tpu.memref_slice %arg6[%dma_wait3A_115] : memref<10000xi32, #tpu.memory_space<vmem>> -> memref<80xi32, #tpu.memory_space<vmem>>
    %dma_wait3A_117 = arith.constant 0 : i32
    %dma_wait3A_118 = arith.constant 0 : i32
    %dma_wait3A_119 = tpu.memref_slice %arg4[%dma_wait3A_117, %dma_wait3A_118] : memref<10000x128xf32, #tpu.memory_space<hbm>> -> memref<10000x128xf32, #tpu.memory_space<hbm>>
    tpu.wait_indirect_dma semaphore(%arg13 : memref<!tpu.dma_semaphore, #tpu.memory_space<semaphore_mem>>) src(%dma_wait3A_119 : memref<10000x128xf32, #tpu.memory_space<hbm>>) dst(%arg10 : memref<80x128xf32, #tpu.memory_space<vmem>>)
    %get3A = arith.constant 9920 : index
    %get3A_120 = tpu.vector_load %arg7[%get3A] {strides = array<i32>} : memref<10000xi32, #tpu.memory_space<vmem>>, vector<16xi32>,
    %get3A_121 = vector.shape_cast %get3A_120 : vector<16xi32> to vector<16xi32>
    %swap3A = arith.constant 0 : index
    %swap3A_122 = tpu.vector_load %arg8[%swap3A] {strides = array<i32>} : memref<80xi32, #tpu.memory_space<vmem>>, vector<16xi32>,
    %swap3A_123 = vector.shape_cast %swap3A_122 : vector<16xi32> to vector<16xi32>
    %swap3A_124 = vector.shape_cast %get3A_121 : vector<16xi32> to vector<16xi32>
    tpu.vector_store %arg8[%swap3A], %swap3A_124 {strides = array<i32>} : memref<80xi32, #tpu.memory_space<vmem>>, vector<16xi32>,
    %get3A_125 = arith.constant 9936 : index
    %get3A_126 = tpu.vector_load %arg7[%get3A_125] {strides = array<i32>} : memref<10000xi32, #tpu.memory_space<vmem>>, vector<16xi32>,
    %get3A_127 = vector.shape_cast %get3A_126 : vector<16xi32> to vector<16xi32>
    %swap3A_128 = arith.constant 16 : index
    %swap3A_129 = tpu.vector_load %arg8[%swap3A_128] {strides = array<i32>} : memref<80xi32, #tpu.memory_space<vmem>>, vector<16xi32>,
    %swap3A_130 = vector.shape_cast %swap3A_129 : vector<16xi32> to vector<16xi32>
    %swap3A_131 = vector.shape_cast %get3A_127 : vector<16xi32> to vector<16xi32>
    tpu.vector_store %arg8[%swap3A_128], %swap3A_131 {strides = array<i32>} : memref<80xi32, #tpu.memory_space<vmem>>, vector<16xi32>,
    %get3A_132 = arith.constant 9952 : index
    %get3A_133 = tpu.vector_load %arg7[%get3A_132] {strides = array<i32>} : memref<10000xi32, #tpu.memory_space<vmem>>, vector<16xi32>,
    %get3A_134 = vector.shape_cast %get3A_133 : vector<16xi32> to vector<16xi32>
    %swap3A_135 = arith.constant 32 : index
    %swap3A_136 = tpu.vector_load %arg8[%swap3A_135] {strides = array<i32>} : memref<80xi32, #tpu.memory_space<vmem>>, vector<16xi32>,
    %swap3A_137 = vector.shape_cast %swap3A_136 : vector<16xi32> to vector<16xi32>
    %swap3A_138 = vector.shape_cast %get3A_134 : vector<16xi32> to vector<16xi32>
    tpu.vector_store %arg8[%swap3A_135], %swap3A_138 {strides = array<i32>} : memref<80xi32, #tpu.memory_space<vmem>>, vector<16xi32>,
    %get3A_139 = arith.constant 9968 : index
    %get3A_140 = tpu.vector_load %arg7[%get3A_139] {strides = array<i32>} : memref<10000xi32, #tpu.memory_space<vmem>>, vector<16xi32>,
    %get3A_141 = vector.shape_cast %get3A_140 : vector<16xi32> to vector<16xi32>
    %swap3A_142 = arith.constant 48 : index
    %swap3A_143 = tpu.vector_load %arg8[%swap3A_142] {strides = array<i32>} : memref<80xi32, #tpu.memory_space<vmem>>, vector<16xi32>,
    %swap3A_144 = vector.shape_cast %swap3A_143 : vector<16xi32> to vector<16xi32>
    %swap3A_145 = vector.shape_cast %get3A_141 : vector<16xi32> to vector<16xi32>
    tpu.vector_store %arg8[%swap3A_142], %swap3A_145 {strides = array<i32>} : memref<80xi32, #tpu.memory_space<vmem>>, vector<16xi32>,
    %get3A_146 = arith.constant 9984 : index
    %get3A_147 = tpu.vector_load %arg7[%get3A_146] {strides = array<i32>} : memref<10000xi32, #tpu.memory_space<vmem>>, vector<16xi32>,
    %get3A_148 = vector.shape_cast %get3A_147 : vector<16xi32> to vector<16xi32>
    %swap3A_149 = arith.constant 64 : index
    %swap3A_150 = tpu.vector_load %arg8[%swap3A_149] {strides = array<i32>} : memref<80xi32, #tpu.memory_space<vmem>>, vector<16xi32>,
    %swap3A_151 = vector.shape_cast %swap3A_150 : vector<16xi32> to vector<16xi32>
    %swap3A_152 = vector.shape_cast %get3A_148 : vector<16xi32> to vector<16xi32>
    tpu.vector_store %arg8[%swap3A_149], %swap3A_152 {strides = array<i32>} : memref<80xi32, #tpu.memory_space<vmem>>, vector<16xi32>,
    "tpu.region"() ({
      %run_scoped3A = tpu.sem_alloc : memref<!tpu.dma_semaphore, #tpu.memory_space<semaphore_mem>>
      %dma_start3A_266 = arith.constant 0 : i32
      %dma_start3A_267 = arith.constant 0 : i32
      %dma_start3A_268 = tpu.memref_slice %arg12[%dma_start3A_266, %dma_start3A_267] : memref<10000x128xf32, #tpu.memory_space<vmem_shared>> -> memref<10000x128xf32, #tpu.memory_space<vmem_shared>>
      tpu.enqueue_indirect_dma source(%arg10 : memref<80x128xf32, #tpu.memory_space<vmem>>) target(%dma_start3A_268 : memref<10000x128xf32, #tpu.memory_space<vmem_shared>>) offsets(%arg8 : memref<80xi32, #tpu.memory_space<vmem>>) semaphore(%run_scoped3A : memref<!tpu.dma_semaphore, #tpu.memory_space<semaphore_mem>>) {add = true}
      %dma_wait3A_269 = arith.constant 0 : i32
      %dma_wait3A_270 = arith.constant 0 : i32
      %dma_wait3A_271 = tpu.memref_slice %arg12[%dma_wait3A_269, %dma_wait3A_270] : memref<10000x128xf32, #tpu.memory_space<vmem_shared>> -> memref<10000x128xf32, #tpu.memory_space<vmem_shared>>
      tpu.wait_indirect_dma semaphore(%run_scoped3A : memref<!tpu.dma_semaphore, #tpu.memory_space<semaphore_mem>>) src(%arg10 : memref<80x128xf32, #tpu.memory_space<vmem>>) dst(%dma_wait3A_271 : memref<10000x128xf32, #tpu.memory_space<vmem_shared>>)
      tpu.yield
    }) : () -> ()
    %barrier3A_153 = arith.constant 0 : index
    tpu.barrier barrier_id(%barrier3A_153)
    %add3A_154 = arith.constant 0 : i32
    %add3A_155 = arith.addi %mul3A_15, %add3A_154 : i32
    %add3A_156 = arith.constant 0 : i32
    %add3A_157 = arith.addi %mul3A_15, %add3A_156 : i32
    %add3A_158 = arith.constant 80 : i32
    %add3A_159 = arith.addi %mul3A_15, %add3A_158 : i32
    %add3A_160 = arith.constant 80 : i32
    %add3A_161 = arith.addi %mul3A_15, %add3A_160 : i32
    %add3A_162 = arith.constant 160 : i32
    %add3A_163 = arith.addi %mul3A_15, %add3A_162 : i32
    %add3A_164 = arith.constant 160 : i32
    %add3A_165 = arith.addi %mul3A_15, %add3A_164 : i32
    %add3A_166 = arith.constant 240 : i32
    %add3A_167 = arith.addi %mul3A_15, %add3A_166 : i32
    %add3A_168 = arith.constant 240 : i32
    %add3A_169 = arith.addi %mul3A_15, %add3A_168 : i32
    %add3A_170 = arith.constant 320 : i32
    %add3A_171 = arith.addi %mul3A_15, %add3A_170 : i32
    %add3A_172 = arith.constant 320 : i32
    %add3A_173 = arith.addi %mul3A_15, %add3A_172 : i32
    %add3A_174 = arith.constant 400 : i32
    %add3A_175 = arith.addi %mul3A_15, %add3A_174 : i32
    %add3A_176 = arith.constant 400 : i32
    %add3A_177 = arith.addi %mul3A_15, %add3A_176 : i32
    %add3A_178 = arith.constant 480 : i32
    %add3A_179 = arith.addi %mul3A_15, %add3A_178 : i32
    %add3A_180 = arith.constant 480 : i32
    %add3A_181 = arith.addi %mul3A_15, %add3A_180 : i32
    %add3A_182 = arith.constant 560 : i32
    %add3A_183 = arith.addi %mul3A_15, %add3A_182 : i32
    %add3A_184 = arith.constant 560 : i32
    %add3A_185 = arith.addi %mul3A_15, %add3A_184 : i32
    %dma_start3A_186 = arith.constant 0 : i32
    %dma_start3A_187 = tpu.memref_slice %arg5[%arg0, %add3A_157, %dma_start3A_186] : memref<2x10000x128xf32, #tpu.memory_space<hbm>> -> memref<1x80x128xf32, #tpu.memory_space<hbm>>
    %dma_start3A_188 = tpu.memref_squeeze %dma_start3A_187 : memref<1x80x128xf32, #tpu.memory_space<hbm>> -> memref<80x128xf32, #tpu.memory_space<hbm>>
    %dma_start3A_189 = arith.constant 0 : i32
    %dma_start3A_190 = tpu.memref_slice %arg12[%add3A_155, %dma_start3A_189] : memref<10000x128xf32, #tpu.memory_space<vmem_shared>> -> memref<80x128xf32, #tpu.memory_space<vmem_shared>>
    tpu.enqueue_dma source(%dma_start3A_190 : memref<80x128xf32, #tpu.memory_space<vmem_shared>>) target(%dma_start3A_188 : memref<80x128xf32, #tpu.memory_space<hbm>>) target_semaphore(%arg13 : memref<!tpu.dma_semaphore, #tpu.memory_space<semaphore_mem>>)
    %dma_start3A_191 = arith.constant 0 : i32
    %dma_start3A_192 = tpu.memref_slice %arg5[%arg0, %add3A_161, %dma_start3A_191] : memref<2x10000x128xf32, #tpu.memory_space<hbm>> -> memref<1x80x128xf32, #tpu.memory_space<hbm>>
    %dma_start3A_193 = tpu.memref_squeeze %dma_start3A_192 : memref<1x80x128xf32, #tpu.memory_space<hbm>> -> memref<80x128xf32, #tpu.memory_space<hbm>>
    %dma_start3A_194 = arith.constant 0 : i32
    %dma_start3A_195 = tpu.memref_slice %arg12[%add3A_159, %dma_start3A_194] : memref<10000x128xf32, #tpu.memory_space<vmem_shared>> -> memref<80x128xf32, #tpu.memory_space<vmem_shared>>
    tpu.enqueue_dma source(%dma_start3A_195 : memref<80x128xf32, #tpu.memory_space<vmem_shared>>) target(%dma_start3A_193 : memref<80x128xf32, #tpu.memory_space<hbm>>) target_semaphore(%arg13 : memref<!tpu.dma_semaphore, #tpu.memory_space<semaphore_mem>>)
    %dma_start3A_196 = arith.constant 0 : i32
    %dma_start3A_197 = tpu.memref_slice %arg5[%arg0, %add3A_165, %dma_start3A_196] : memref<2x10000x128xf32, #tpu.memory_space<hbm>> -> memref<1x80x128xf32, #tpu.memory_space<hbm>>
    %dma_start3A_198 = tpu.memref_squeeze %dma_start3A_197 : memref<1x80x128xf32, #tpu.memory_space<hbm>> -> memref<80x128xf32, #tpu.memory_space<hbm>>
    %dma_start3A_199 = arith.constant 0 : i32
    %dma_start3A_200 = tpu.memref_slice %arg12[%add3A_163, %dma_start3A_199] : memref<10000x128xf32, #tpu.memory_space<vmem_shared>> -> memref<80x128xf32, #tpu.memory_space<vmem_shared>>
    tpu.enqueue_dma source(%dma_start3A_200 : memref<80x128xf32, #tpu.memory_space<vmem_shared>>) target(%dma_start3A_198 : memref<80x128xf32, #tpu.memory_space<hbm>>) target_semaphore(%arg13 : memref<!tpu.dma_semaphore, #tpu.memory_space<semaphore_mem>>)
    %dma_start3A_201 = arith.constant 0 : i32
    %dma_start3A_202 = tpu.memref_slice %arg5[%arg0, %add3A_169, %dma_start3A_201] : memref<2x10000x128xf32, #tpu.memory_space<hbm>> -> memref<1x80x128xf32, #tpu.memory_space<hbm>>
    %dma_start3A_203 = tpu.memref_squeeze %dma_start3A_202 : memref<1x80x128xf32, #tpu.memory_space<hbm>> -> memref<80x128xf32, #tpu.memory_space<hbm>>
    %dma_start3A_204 = arith.constant 0 : i32
    %dma_start3A_205 = tpu.memref_slice %arg12[%add3A_167, %dma_start3A_204] : memref<10000x128xf32, #tpu.memory_space<vmem_shared>> -> memref<80x128xf32, #tpu.memory_space<vmem_shared>>
    tpu.enqueue_dma source(%dma_start3A_205 : memref<80x128xf32, #tpu.memory_space<vmem_shared>>) target(%dma_start3A_203 : memref<80x128xf32, #tpu.memory_space<hbm>>) target_semaphore(%arg13 : memref<!tpu.dma_semaphore, #tpu.memory_space<semaphore_mem>>)
    %dma_start3A_206 = arith.constant 0 : i32
    %dma_start3A_207 = tpu.memref_slice %arg5[%arg0, %add3A_173, %dma_start3A_206] : memref<2x10000x128xf32, #tpu.memory_space<hbm>> -> memref<1x80x128xf32, #tpu.memory_space<hbm>>
    %dma_start3A_208 = tpu.memref_squeeze %dma_start3A_207 : memref<1x80x128xf32, #tpu.memory_space<hbm>> -> memref<80x128xf32, #tpu.memory_space<hbm>>
    %dma_start3A_209 = arith.constant 0 : i32
    %dma_start3A_210 = tpu.memref_slice %arg12[%add3A_171, %dma_start3A_209] : memref<10000x128xf32, #tpu.memory_space<vmem_shared>> -> memref<80x128xf32, #tpu.memory_space<vmem_shared>>
    tpu.enqueue_dma source(%dma_start3A_210 : memref<80x128xf32, #tpu.memory_space<vmem_shared>>) target(%dma_start3A_208 : memref<80x128xf32, #tpu.memory_space<hbm>>) target_semaphore(%arg13 : memref<!tpu.dma_semaphore, #tpu.memory_space<semaphore_mem>>)
    %dma_start3A_211 = arith.constant 0 : i32
    %dma_start3A_212 = tpu.memref_slice %arg5[%arg0, %add3A_177, %dma_start3A_211] : memref<2x10000x128xf32, #tpu.memory_space<hbm>> -> memref<1x80x128xf32, #tpu.memory_space<hbm>>
    %dma_start3A_213 = tpu.memref_squeeze %dma_start3A_212 : memref<1x80x128xf32, #tpu.memory_space<hbm>> -> memref<80x128xf32, #tpu.memory_space<hbm>>
    %dma_start3A_214 = arith.constant 0 : i32
    %dma_start3A_215 = tpu.memref_slice %arg12[%add3A_175, %dma_start3A_214] : memref<10000x128xf32, #tpu.memory_space<vmem_shared>> -> memref<80x128xf32, #tpu.memory_space<vmem_shared>>
    tpu.enqueue_dma source(%dma_start3A_215 : memref<80x128xf32, #tpu.memory_space<vmem_shared>>) target(%dma_start3A_213 : memref<80x128xf32, #tpu.memory_space<hbm>>) target_semaphore(%arg13 : memref<!tpu.dma_semaphore, #tpu.memory_space<semaphore_mem>>)
    %dma_start3A_216 = arith.constant 0 : i32
    %dma_start3A_217 = tpu.memref_slice %arg5[%arg0, %add3A_181, %dma_start3A_216] : memref<2x10000x128xf32, #tpu.memory_space<hbm>> -> memref<1x80x128xf32, #tpu.memory_space<hbm>>
    %dma_start3A_218 = tpu.memref_squeeze %dma_start3A_217 : memref<1x80x128xf32, #tpu.memory_space<hbm>> -> memref<80x128xf32, #tpu.memory_space<hbm>>
    %dma_start3A_219 = arith.constant 0 : i32
    %dma_start3A_220 = tpu.memref_slice %arg12[%add3A_179, %dma_start3A_219] : memref<10000x128xf32, #tpu.memory_space<vmem_shared>> -> memref<80x128xf32, #tpu.memory_space<vmem_shared>>
    tpu.enqueue_dma source(%dma_start3A_220 : memref<80x128xf32, #tpu.memory_space<vmem_shared>>) target(%dma_start3A_218 : memref<80x128xf32, #tpu.memory_space<hbm>>) target_semaphore(%arg13 : memref<!tpu.dma_semaphore, #tpu.memory_space<semaphore_mem>>)
    %dma_start3A_221 = arith.constant 0 : i32
    %dma_start3A_222 = tpu.memref_slice %arg5[%arg0, %add3A_185, %dma_start3A_221] : memref<2x10000x128xf32, #tpu.memory_space<hbm>> -> memref<1x80x128xf32, #tpu.memory_space<hbm>>
    %dma_start3A_223 = tpu.memref_squeeze %dma_start3A_222 : memref<1x80x128xf32, #tpu.memory_space<hbm>> -> memref<80x128xf32, #tpu.memory_space<hbm>>
    %dma_start3A_224 = arith.constant 0 : i32
    %dma_start3A_225 = tpu.memref_slice %arg12[%add3A_183, %dma_start3A_224] : memref<10000x128xf32, #tpu.memory_space<vmem_shared>> -> memref<80x128xf32, #tpu.memory_space<vmem_shared>>
    tpu.enqueue_dma source(%dma_start3A_225 : memref<80x128xf32, #tpu.memory_space<vmem_shared>>) target(%dma_start3A_223 : memref<80x128xf32, #tpu.memory_space<hbm>>) target_semaphore(%arg13 : memref<!tpu.dma_semaphore, #tpu.memory_space<semaphore_mem>>)
    %dma_wait3A_226 = arith.constant 0 : i32
    %dma_wait3A_227 = tpu.memref_slice %arg5[%arg0, %add3A_157, %dma_wait3A_226] : memref<2x10000x128xf32, #tpu.memory_space<hbm>> -> memref<1x80x128xf32, #tpu.memory_space<hbm>>
    %dma_wait3A_228 = tpu.memref_squeeze %dma_wait3A_227 : memref<1x80x128xf32, #tpu.memory_space<hbm>> -> memref<80x128xf32, #tpu.memory_space<hbm>>
    %dma_wait3A_229 = arith.constant 0 : i32
    %dma_wait3A_230 = tpu.memref_slice %arg12[%add3A_155, %dma_wait3A_229] : memref<10000x128xf32, #tpu.memory_space<vmem_shared>> -> memref<80x128xf32, #tpu.memory_space<vmem_shared>>
    tpu.wait_dma2 semaphore(%arg13 : memref<!tpu.dma_semaphore, #tpu.memory_space<semaphore_mem>>) src(%dma_wait3A_230 : memref<80x128xf32, #tpu.memory_space<vmem_shared>>) dst(%dma_wait3A_228 : memref<80x128xf32, #tpu.memory_space<hbm>>)
    %dma_wait3A_231 = arith.constant 0 : i32
    %dma_wait3A_232 = tpu.memref_slice %arg5[%arg0, %add3A_161, %dma_wait3A_231] : memref<2x10000x128xf32, #tpu.memory_space<hbm>> -> memref<1x80x128xf32, #tpu.memory_space<hbm>>
    %dma_wait3A_233 = tpu.memref_squeeze %dma_wait3A_232 : memref<1x80x128xf32, #tpu.memory_space<hbm>> -> memref<80x128xf32, #tpu.memory_space<hbm>>
    %dma_wait3A_234 = arith.constant 0 : i32
    %dma_wait3A_235 = tpu.memref_slice %arg12[%add3A_159, %dma_wait3A_234] : memref<10000x128xf32, #tpu.memory_space<vmem_shared>> -> memref<80x128xf32, #tpu.memory_space<vmem_shared>>
    tpu.wait_dma2 semaphore(%arg13 : memref<!tpu.dma_semaphore, #tpu.memory_space<semaphore_mem>>) src(%dma_wait3A_235 : memref<80x128xf32, #tpu.memory_space<vmem_shared>>) dst(%dma_wait3A_233 : memref<80x128xf32, #tpu.memory_space<hbm>>)
    %dma_wait3A_236 = arith.constant 0 : i32
    %dma_wait3A_237 = tpu.memref_slice %arg5[%arg0, %add3A_165, %dma_wait3A_236] : memref<2x10000x128xf32, #tpu.memory_space<hbm>> -> memref<1x80x128xf32, #tpu.memory_space<hbm>>
    %dma_wait3A_238 = tpu.memref_squeeze %dma_wait3A_237 : memref<1x80x128xf32, #tpu.memory_space<hbm>> -> memref<80x128xf32, #tpu.memory_space<hbm>>
    %dma_wait3A_239 = arith.constant 0 : i32
    %dma_wait3A_240 = tpu.memref_slice %arg12[%add3A_163, %dma_wait3A_239] : memref<10000x128xf32, #tpu.memory_space<vmem_shared>> -> memref<80x128xf32, #tpu.memory_space<vmem_shared>>
    tpu.wait_dma2 semaphore(%arg13 : memref<!tpu.dma_semaphore, #tpu.memory_space<semaphore_mem>>) src(%dma_wait3A_240 : memref<80x128xf32, #tpu.memory_space<vmem_shared>>) dst(%dma_wait3A_238 : memref<80x128xf32, #tpu.memory_space<hbm>>)
    %dma_wait3A_241 = arith.constant 0 : i32
    %dma_wait3A_242 = tpu.memref_slice %arg5[%arg0, %add3A_169, %dma_wait3A_241] : memref<2x10000x128xf32, #tpu.memory_space<hbm>> -> memref<1x80x128xf32, #tpu.memory_space<hbm>>
    %dma_wait3A_243 = tpu.memref_squeeze %dma_wait3A_242 : memref<1x80x128xf32, #tpu.memory_space<hbm>> -> memref<80x128xf32, #tpu.memory_space<hbm>>
    %dma_wait3A_244 = arith.constant 0 : i32
    %dma_wait3A_245 = tpu.memref_slice %arg12[%add3A_167, %dma_wait3A_244] : memref<10000x128xf32, #tpu.memory_space<vmem_shared>> -> memref<80x128xf32, #tpu.memory_space<vmem_shared>>
    tpu.wait_dma2 semaphore(%arg13 : memref<!tpu.dma_semaphore, #tpu.memory_space<semaphore_mem>>) src(%dma_wait3A_245 : memref<80x128xf32, #tpu.memory_space<vmem_shared>>) dst(%dma_wait3A_243 : memref<80x128xf32, #tpu.memory_space<hbm>>)
    %dma_wait3A_246 = arith.constant 0 : i32
    %dma_wait3A_247 = tpu.memref_slice %arg5[%arg0, %add3A_173, %dma_wait3A_246] : memref<2x10000x128xf32, #tpu.memory_space<hbm>> -> memref<1x80x128xf32, #tpu.memory_space<hbm>>
    %dma_wait3A_248 = tpu.memref_squeeze %dma_wait3A_247 : memref<1x80x128xf32, #tpu.memory_space<hbm>> -> memref<80x128xf32, #tpu.memory_space<hbm>>
    %dma_wait3A_249 = arith.constant 0 : i32
    %dma_wait3A_250 = tpu.memref_slice %arg12[%add3A_171, %dma_wait3A_249] : memref<10000x128xf32, #tpu.memory_space<vmem_shared>> -> memref<80x128xf32, #tpu.memory_space<vmem_shared>>
    tpu.wait_dma2 semaphore(%arg13 : memref<!tpu.dma_semaphore, #tpu.memory_space<semaphore_mem>>) src(%dma_wait3A_250 : memref<80x128xf32, #tpu.memory_space<vmem_shared>>) dst(%dma_wait3A_248 : memref<80x128xf32, #tpu.memory_space<hbm>>)
    %dma_wait3A_251 = arith.constant 0 : i32
    %dma_wait3A_252 = tpu.memref_slice %arg5[%arg0, %add3A_177, %dma_wait3A_251] : memref<2x10000x128xf32, #tpu.memory_space<hbm>> -> memref<1x80x128xf32, #tpu.memory_space<hbm>>
    %dma_wait3A_253 = tpu.memref_squeeze %dma_wait3A_252 : memref<1x80x128xf32, #tpu.memory_space<hbm>> -> memref<80x128xf32, #tpu.memory_space<hbm>>
    %dma_wait3A_254 = arith.constant 0 : i32
    %dma_wait3A_255 = tpu.memref_slice %arg12[%add3A_175, %dma_wait3A_254] : memref<10000x128xf32, #tpu.memory_space<vmem_shared>> -> memref<80x128xf32, #tpu.memory_space<vmem_shared>>
    tpu.wait_dma2 semaphore(%arg13 : memref<!tpu.dma_semaphore, #tpu.memory_space<semaphore_mem>>) src(%dma_wait3A_255 : memref<80x128xf32, #tpu.memory_space<vmem_shared>>) dst(%dma_wait3A_253 : memref<80x128xf32, #tpu.memory_space<hbm>>)
    %dma_wait3A_256 = arith.constant 0 : i32
    %dma_wait3A_257 = tpu.memref_slice %arg5[%arg0, %add3A_181, %dma_wait3A_256] : memref<2x10000x128xf32, #tpu.memory_space<hbm>> -> memref<1x80x128xf32, #tpu.memory_space<hbm>>
    %dma_wait3A_258 = tpu.memref_squeeze %dma_wait3A_257 : memref<1x80x128xf32, #tpu.memory_space<hbm>> -> memref<80x128xf32, #tpu.memory_space<hbm>>
    %dma_wait3A_259 = arith.constant 0 : i32
    %dma_wait3A_260 = tpu.memref_slice %arg12[%add3A_179, %dma_wait3A_259] : memref<10000x128xf32, #tpu.memory_space<vmem_shared>> -> memref<80x128xf32, #tpu.memory_space<vmem_shared>>
    tpu.wait_dma2 semaphore(%arg13 : memref<!tpu.dma_semaphore, #tpu.memory_space<semaphore_mem>>) src(%dma_wait3A_260 : memref<80x128xf32, #tpu.memory_space<vmem_shared>>) dst(%dma_wait3A_258 : memref<80x128xf32, #tpu.memory_space<hbm>>)
    %dma_wait3A_261 = arith.constant 0 : i32
    %dma_wait3A_262 = tpu.memref_slice %arg5[%arg0, %add3A_185, %dma_wait3A_261] : memref<2x10000x128xf32, #tpu.memory_space<hbm>> -> memref<1x80x128xf32, #tpu.memory_space<hbm>>
    %dma_wait3A_263 = tpu.memref_squeeze %dma_wait3A_262 : memref<1x80x128xf32, #tpu.memory_space<hbm>> -> memref<80x128xf32, #tpu.memory_space<hbm>>
    %dma_wait3A_264 = arith.constant 0 : i32
    %dma_wait3A_265 = tpu.memref_slice %arg12[%add3A_183, %dma_wait3A_264] : memref<10000x128xf32, #tpu.memory_space<vmem_shared>> -> memref<80x128xf32, #tpu.memory_space<vmem_shared>>
    tpu.wait_dma2 semaphore(%arg13 : memref<!tpu.dma_semaphore, #tpu.memory_space<semaphore_mem>>) src(%dma_wait3A_265 : memref<80x128xf32, #tpu.memory_space<vmem_shared>>) dst(%dma_wait3A_263 : memref<80x128xf32, #tpu.memory_space<hbm>>)
    return
  }
}

module attributes {stable_mosaic.version = 14 : i64} {
  func.func @body(%arg0: memref<2x10000x128xf32, #tpu.memory_space<vmem>>, %arg1: memref<2x128x128xf32, #tpu.memory_space<vmem>>, %arg2: memref<10000x128xf32, #tpu.memory_space<vmem>>) attributes {dimension_semantics = [], scalar_prefetch = 0 : i64, scratch_operands = 0 : i64, tpu.core_type = #tpu.core_type<tc>} {
    %get3A = arith.constant 0 : index
    %get3A_0 = arith.constant 0 : index
    %get3A_1 = arith.constant 0 : index
    %get3A_2 = vector.load %arg0[%get3A, %get3A_0, %get3A_1] : memref<2x10000x128xf32, #tpu.memory_space<vmem>>, vector<1x10000x128xf32>
    %get3A_3 = vector.shape_cast %get3A_2 : vector<1x10000x128xf32> to vector<10000x128xf32>
    %get3A_4 = arith.constant 1 : index
    %get3A_5 = arith.constant 0 : index
    %get3A_6 = arith.constant 0 : index
    %get3A_7 = vector.load %arg0[%get3A_4, %get3A_5, %get3A_6] : memref<2x10000x128xf32, #tpu.memory_space<vmem>>, vector<1x10000x128xf32>
    %get3A_8 = vector.shape_cast %get3A_7 : vector<1x10000x128xf32> to vector<10000x128xf32>
    %add3A = arith.addf %get3A_3, %get3A_8 : vector<10000x128xf32>
    %get3A_9 = arith.constant 0 : index
    %get3A_10 = arith.constant 0 : index
    %get3A_11 = arith.constant 0 : index
    %get3A_12 = vector.load %arg1[%get3A_9, %get3A_10, %get3A_11] : memref<2x128x128xf32, #tpu.memory_space<vmem>>, vector<1x128x128xf32>
    %get3A_13 = vector.shape_cast %get3A_12 : vector<1x128x128xf32> to vector<128x128xf32>
    %get3A_14 = arith.constant 1 : index
    %get3A_15 = arith.constant 0 : index
    %get3A_16 = arith.constant 0 : index
    %get3A_17 = vector.load %arg1[%get3A_14, %get3A_15, %get3A_16] : memref<2x128x128xf32, #tpu.memory_space<vmem>>, vector<1x128x128xf32>
    %get3A_18 = vector.shape_cast %get3A_17 : vector<1x128x128xf32> to vector<128x128xf32>
    %add3A_19 = arith.addf %get3A_13, %get3A_18 : vector<128x128xf32>
    %mul3A = arith.constant 5.000000e-01 : f32
    %mul3A_20 = vector.broadcast %mul3A : f32 to vector<128x128xf32>
    %mul3A_21 = arith.mulf %add3A_19, %mul3A_20 : vector<128x128xf32>
    %convert_element_type3A = arith.truncf %add3A : vector<10000x128xf32> to vector<10000x128xbf16>
    %convert_element_type3A_22 = arith.truncf %mul3A_21 : vector<128x128xf32> to vector<128x128xbf16>
    %dot_general3A = arith.constant dense<0.000000e+00> : vector<10000x128xf32>
    %dot_general3A_23 = tpu.matmul %convert_element_type3A, %convert_element_type3A_22, %dot_general3A {dimension_numbers = #tpu.dot_dimension_numbers<[1], [0], [0], [1], [0, 0, 1, 1], [], []>, transpose_lhs_hint = false} : vector<10000x128xbf16>, vector<128x128xbf16>, vector<10000x128xf32> -> vector<10000x128xf32>
    %max3A = arith.constant 0.000000e+00 : f32
    %max3A_24 = vector.broadcast %max3A : f32 to vector<10000x128xf32>
    %max3A_25 = arith.maximumf %dot_general3A_23, %max3A_24 : vector<10000x128xf32>
    %swap3A = arith.constant 0 : index
    %swap3A_26 = arith.constant 0 : index
    %swap3A_27 = vector.load %arg2[%swap3A, %swap3A_26] : memref<10000x128xf32, #tpu.memory_space<vmem>>, vector<10000x128xf32>
    tpu.vector_store %arg2[%swap3A, %swap3A_26], %max3A_25 {strides = array<i32>} : memref<10000x128xf32, #tpu.memory_space<vmem>>, vector<10000x128xf32>,
    return
  }
}

</mosaic_0001>

<sc_bundles>
// kernel: kernel.4.cloned.1.call-start
scs
__scs_entry_jumppad:
0x0: {  	(pc) =	sbr.rel $0x88, $3  }
0x1: {  	(tag) =	ssettag $0x0;
	lr =	simm.s32 $0x1  }
0x2: {  	[smem:$0x3F9E] =	sst lr;
	_ =	strace $0xD0000000  }
0x3: {  	_ = 	snop  }
0x4: {  	_ = 	snop  }
0x5: {  	_ = 	snop  }
0x6: {  	_ = 	snop  }
0x7: {  	_ = 	snop  }
__scs_overlays_trampoline_lowered:
0x8: {  	[smem:$0x3FAD] =	sst s0  }
0x9: {  	[smem:$0x3FAE] =	sst s1  }
0xa: {  	[smem:$0x3FAF] =	sst s2  }
0xb: {  	[smem:$0x3FB0] =	sst s3  }
0xc: {  	[smem:$0x3FB1] =	sst s4  }
0xd: {  	[smem:$0x3FB2] =	sst s5  }
0xe: {  	[smem:$0x3FB3] =	sst s6  }
0xf: {  	[smem:$0x3FB4] =	sst s7  }
0x10: {  	[smem:$0x3FB5] =	sst s8  }
0x11: {  	[smem:$0x3FB6] =	sst s9;
	s0 =	simm.s32 @!p0 $0x0  }
0x12: {  	s1 =	sld [smem:$0x3F9C];
	s0 =	simm.s32 @p0 $0x1  }
0x13: {  	[smem:$0x3FB7] =	sst s0;
	s0 =	simm.s32 @!p1 $0x0  }
0x14: {  	s2 =	sld [smem:$0x3F9B];
	s0 =	simm.s32 @p1 $0x1  }
0x15: {  	[smem:$0x3FB8] =	sst s0;
	s0 =	simm.s32 @!p2 $0x0  }
0x16: {  	s3 =	sld [smem:$0x3FDB];
	s0 =	simm.s32 @p2 $0x1  }
0x17: {  	s4 =	simm.s32 $0x1BF5;
	[smem:$0x3FBA] =	sst s0  }
0x18: {  	s0 =	sld [smem:$0x3F9D];
	_ =	swait.ge [sflag:s4], $0x0  }
0x19: {  	s7 =	sld [smem:$0x3F9E]  }
0x1a: {  	s8 =	sadd.s32 $0xFFFFE003, lr  }
0x1b: {  	s9 =	sadd.s32 $0xFFFFFEF7, lr;
	s5 =	simm.s32 $0xFFFFFFFF;
	p2 =	slt.u32 s8, $0xFFFFF086  }
0x1c: {  	p1 =	slt.u32 s9, $0xF7A;
	s5 =	simm.s32 @!p2 $0x0  }
0x1d: {  	s5 =	simm.s32 @p1 $0x1;
	p0 =	seq.s32 s7, s2  }
0x1e: {  	s7 =	smul.u32 @!p0 $0xF7A, s2;
	p2 =	seq.s32 @!p0 s5, $0x0  }
0x1f: {  	s9 =	smul.u32 $0xF7A, s1;
	s8 =	simm.s32 @!p0 $0x1BF5;
	p2 =	por !p2, p0  }
0x20: {  	[sflag:s8] =	ssyncset.s32 @!p0 $0xFFFFF086;
	s6 =	sadd.s32 @!p0 s3, s7;
	s7 =	simm.s32 @!p0 $0x108  }
0x21: {  	s3 =	sadd.s32 s3, s9;
	s6 =	sadd.s32 @!p0 $0x88, s6;
	s7 =	simm.s32 @p2 $0x1082  }
0x22: {  	[simem:s7], [sflag:s8] =	dma.local @!p0 [hbm:s6], $0xF7A  }
0x23: {  	s9 =	sor.u32 $0xD0000000, s2;
	s6 =	simm.s32 $0x108;
	_ =	swait.ge @!p0 [sflag:s8], $0x0  }
0x24: {  	s3 =	sadd.s32 $0x88, s3;
	s6 =	simm.s32 @!p1 $0x1082;
	[sflag:s4] =	ssyncset.s32 $0xFFFFF086  }
0x25: {  	[simem:s6], [sflag:s4] =	dma.local [hbm:s3], $0xF7A  }
0x26: {  	[smem:$0x3F9E] =	sst s1;
	(tag) =	ssettag s2;
	_ =	strace s9  }
0x27: {  	s1 =	sld [smem:$0x3FAE]  }
0x28: {  	s2 =	sld [smem:$0x3FAF]  }
0x29: {  	s4 =	sld [smem:$0x3FB1]  }
0x2a: {  	p0 =	seq.s32 s5, $0x0;
	s5 =	sld [smem:$0x3FB2]  }
0x2b: {  	s6 =	sld [smem:$0x3FB3]  }
0x2c: {  	s7 =	sld [smem:$0x3FB4]  }
0x2d: {  	s3 =	simm.s32 $0x108;
	s8 =	sld [smem:$0x3FB5]  }
0x2e: {  	s3 =	simm.s32 @!p0 $0x1082;
	s9 =	sld [smem:$0x3FB6]  }
0x2f: {  	lr =	sadd.s32 s0, s3;
	s0 =	sld [smem:$0x3FAD]  }
0x30: {  	s3 =	sld [smem:$0x3FB0]  }
0x31: {  	[smem:$0x3FB9] =	sst s10  }
0x32: {  	s10 =	sld [smem:$0x3FB7];
	_ =	sdelay $0x3  }
0x33: {  	p0 =	seq.s32 s10, $0x1;
	s10 =	sld [smem:$0x3FB9];
	_ =	sdelay $0x3  }
0x34: {  	[smem:$0x3FB9] =	sst s10  }
0x35: {  	s10 =	sld [smem:$0x3FB8];
	_ =	sdelay $0x3  }
0x36: {  	p1 =	seq.s32 s10, $0x1;
	s10 =	sld [smem:$0x3FB9];
	_ =	sdelay $0x3  }
0x37: {  	[smem:$0x3FB9] =	sst s10  }
0x38: {  	s10 =	sld [smem:$0x3FBA]  }
0x39: {  	_ = 	snop;
	(pc) =	sbr.ind lr, $3  }
0x3a: {  	_ = 	snop  }
0x3b: {  	_ = 	snop  }
0x3c: {  	p2 =	seq.s32 s10, $0x1;
	s10 =	sld [smem:$0x3FB9]  }
0x3d: {  	_ =	shalt  }
0x3e: {  	_ =	shalt  }
0x3f: {  	_ =	shalt  }
0x40: {  	_ =	shalt  }
0x41: {  	_ =	shalt  }
0x42: {  	_ =	shalt  }
0x43: {  	_ =	shalt  }
0x44: {  	_ =	shalt  }
0x45: {  	_ =	shalt  }
0x46: {  	_ =	shalt  }
0x47: {  	_ =	shalt  }
0x48: {  	_ =	shalt  }
0x49: {  	_ =	shalt  }
0x4a: {  	_ =	shalt  }
0x4b: {  	_ =	shalt  }
0x4c: {  	_ =	shalt  }
0x4d: {  	_ =	shalt  }
0x4e: {  	_ =	shalt  }
0x4f: {  	_ =	shalt  }
0x50: {  	_ =	shalt  }
0x51: {  	_ =	shalt  }
0x52: {  	_ =	shalt  }
0x53: {  	_ =	shalt  }
0x54: {  	_ =	shalt  }
0x55: {  	_ =	shalt  }
0x56: {  	_ =	shalt  }
0x57: {  	_ =	shalt  }
0x58: {  	_ =	shalt  }
0x59: {  	_ =	shalt  }
0x5a: {  	_ =	shalt  }
0x5b: {  	_ =	shalt  }
0x5c: {  	_ =	shalt  }
0x5d: {  	_ =	shalt  }
0x5e: {  	_ =	shalt  }
0x5f: {  	_ =	shalt  }
0x60: {  	_ =	shalt  }
0x61: {  	_ =	shalt  }
0x62: {  	_ =	shalt  }
0x63: {  	_ =	shalt  }
0x64: {  	_ =	shalt  }
0x65: {  	_ =	shalt  }
0x66: {  	_ =	shalt  }
0x67: {  	_ =	shalt  }
0x68: {  	_ =	shalt  }
0x69: {  	_ =	shalt  }
0x6a: {  	_ =	shalt  }
0x6b: {  	_ =	shalt  }
0x6c: {  	_ =	shalt  }
0x6d: {  	_ =	shalt  }
0x6e: {  	_ =	shalt  }
0x6f: {  	_ =	shalt  }
0x70: {  	_ =	shalt  }
0x71: {  	_ =	shalt  }
0x72: {  	_ =	shalt  }
0x73: {  	_ =	shalt  }
0x74: {  	_ =	shalt  }
0x75: {  	_ =	shalt  }
0x76: {  	_ =	shalt  }
0x77: {  	_ =	shalt  }
0x78: {  	_ =	shalt  }
0x79: {  	_ =	shalt  }
0x7a: {  	_ =	shalt  }
0x7b: {  	_ =	shalt  }
0x7c: {  	_ =	shalt  }
0x7d: {  	_ =	shalt  }
0x7e: {  	_ =	shalt  }
0x7f: {  	_ =	shalt  }
0x80: {  	_ =	shalt  }
0x81: {  	_ =	shalt  }
0x82: {  	_ =	shalt  }
0x83: {  	_ =	shalt  }
0x84: {  	_ =	shalt  }
0x85: {  	_ =	shalt  }
0x86: {  	_ =	shalt  }
0x87: {  	_ =	shalt  }
.Lfunc_end0:
.L_simem_size_0:
called_computation_lowered:
.L_overlay_start_0:
0x88: {  	s2 =	sld [smem:$0x3FD9]  }
0x89: {  	s3 =	sld [smem:$0x3FFE];
	_ =	sdelay $0x1  }
0x8a: {  	s1 =	srdreg.scid  }
0x8b: {  	s0 =	sand.u32 $0x1, s1  }
0x8c: {  	s17 =	sshll.u32 s0, $0xA;
	s2 =	sadd.s32 s3, s2  }
0x8d: {  	s2 =	sadd.s32 s2, s17  }
0x8e: {  	[smem:$0x3FC5] =	sst s2  }
0x8f: {  	_ = 	snop  }
0x90: {  	s2 =	sld [smem:$0x3FC9]  }
0x91: {  	s18 =	sld [smem:$0x3FD0];
	(tm) =	ssettm $0x1  }
0x92: {  	s4 =	sld [smem:$0x3FFB];
	_ =	sdelay $0x3  }
0x93: {  	_ =	strace s4  }
0x94: {  	s4 =	sld [smem:$0x3FFC];
	_ =	sdelay $0x3  }
0x95: {  	_ =	strace s4  }
0x96: {  	s4 =	sld [smem:$0x3FFD];
	_ =	sdelay $0x3  }
0x97: {  	_ =	strace s4  }
0x98: {  	_ =	strace $0x8FFFFFFF  }
0x99: {  	s19 =	sld [smem:$0x3FDB];
	_ =	sdelay $0x1  }
0x9a: {  	s5 =	simm.s32 $_scs_section_size  }
0x9b: {  	s6 =	simm.s32 $_size__tile_overlayer_lowered;
	s7 =	simm.s32 $_tile_overlayer_lowered  }
0x9c: {  	s22 =	simm.s32 $0x1BFF;
	s21 =	sshll.u32 s7, $0x1;
	s4 =	sadd.s32 s5, s19  }
0x9d: {  	s8 =	simm.s32 $0x0;
	s20 =	sshll.u32 s6, $0x1;
	s6 =	sadd.s32 s21, s4  }
0x9e: {  	[timem:s8], [sflag:s22] =	dma.local [hbm:s6], s20  }
0x9f: {  	_ =	swait.ge [sflag:s22], s20  }
0xa0: {  	s5 =	ssub.s32 $0x0, s20;
	[sflag:s22] =	ssyncset.done $0x0  }
0xa1: {  	[sflag:s22] =	ssyncadd.s32 s5;
	_ =	sdelay $0x1  }
0xa2: {  	s23 =	simm.s32 $0x1B8B  }
0xa3: {  	_ =	swait.ge [sflag:s23], $0x1  }
0xa4: {  	[sflag:s23] =	ssyncset.done $0x0  }
0xa5: {  	s25 =	simm.s32 $0x1B8E;
	s24 =	sld [smem:$0x3FFE];
	[sflag:s23] =	ssyncadd.s32 $0xFFFFFFFF  }
0xa6: {  	s26 =	simm.s32 $execute0_lowered;
	[smem:$0x3FD2] =	sst s25  }
0xa7: {  	s6 =	sshll.u32 s26, $0x1;
	_ =	strace $0x80000046;
	[dreg:$0x1] =	wrdreg $0xFFFFFFFF  }
0xa8: {  	s28 =	simm.s32 $_size_execute0_lowered;
	s4 =	sadd.s32 s4, s6;
	[dreg:$0x0] =	wrdreg $0x0  }
0xa9: {  	s6 =	sshll.u32 s28, $0x1;
	[dreg:$0x2] =	wrdreg s4  }
0xaa: {  	[dreg:$0x3] =	wrdreg s6  }
0xab: {  	[dreg:$0x4] =	wrdreg $0xC0  }
0xac: {  	_ =	task [dreg:s8], $0x5FFFF  }
0xad: {  	[dreg:$0x1] =	wrdreg $0xFFFFFFFF  }
0xae: {  	[dreg:$0x0] =	wrdreg $0x60  }
0xaf: {  	[dreg:$0x2] =	wrdreg s24  }
0xb0: {  	[dreg:$0x3] =	wrdreg s18  }
0xb1: {  	[dreg:$0x4] =	wrdreg s2  }
0xb2: {  	[dreg:$0x5] =	wrdreg $0xA0000  }
0xb3: {  	[dreg:$0x6] =	wrdreg $0x9  }
0xb4: {  	_ =	task.clear_ibuf [dreg:s8], $0x7FFFF;
	_ =	strace $0x90000046  }
0xb5: {  	s29 =	simm.s32 $0x9;
	_ =	strace $0x80000048  }
0xb6: {  	_ =	swait.ge [sflag:s29], $0x1  }
0xb7: {  	[sflag:s29] =	ssyncadd.s32 $0xFFFFFFFF  }
0xb8: {  	_ =	strace $0x90000048  }
0xb9: {  	_ =	sfence  }
0xba: {  	s30 =	sld [smem:$0x0];
	_ =	sdelay $0x2  }
0xbb: {  	s31 =	sshll.u32 s1, $0xD;
	s1 =	sshrl.u32 s1, $0x2  }
0xbc: {  	s3 =	sand.u32 $0x4000, s31;
	s1 =	sadd.s32 s1, s30  }
0xbd: {  	s0 =	sor.u32 s3, s0;
	s1 =	sshll.u32 s1, $0x11  }
0xbe: {  	s0 =	sor.u32 s1, s0  }
0xbf: {  	s0 =	sadd.s32 $0x8F2B, s0  }
0xc0: {  	[sflag:s0] =	ssyncadd.remote.s32 $0x1  }
0xc1: {  	_ =	sfence.sel $0xFFFF  }
0xc2: {  	[dreg:$0x0] =	wrdreg $0xFFFFFFFF;
	(pc) =	sbr.abs _section_cstart, $3  }
0xc3: {  	[dreg:$0x1] =	wrdreg $0xFFFFFFFF  }
0xc4: {  	_ =	task.clear_ibuf [dreg:s8], $0x2FFFF;
	_ =	strace $0x9FFFFFFF  }
0xc5: {  	(tm) =	ssettm $0x7FFFFFFF  }
tec
execute0_lowered:
.L_overlay_start_1:
0x0: {  	(tag) =	ssettag $0x1  }
0x1: {  	s0 =	rddreg [dreg:$0x0]  }
0x2: {  	s1 =	rddreg [dreg:$0x1]  }
0x3: {  	s3 =	srdreg.scid;
	s2 =	rddreg [dreg:$0x2]  }
0x4: {  	s10 =	stileid.u32;
	s4 =	simm.s32 $0x0;
	s28 =	simm.s32 $0x3  }
0x5: {  	s29 =	simm.s32 $0x4;
	s30 =	simm.s32 $0x50;
	s31 =	simm.s32 $0x7800  }
0x6: {  	s5 =	sand.u32 $0x1, s3;
	s3 =	rddreg [dreg:$0x3];
	s8 =	smul.u32 $0x4E000, s10  }
0x7: {  	[smem:$0x7FF] =	sst s4;
	s15 =	sadd.s32 $0x9E00, s0;
	s14 =	smul.u32 $0x13800, s10  }
0x8: {  	s6 =	sshll.u32 s5, $0x4;
	_ =	strace $0x80000047;
	s7 =	ssub.s32 $0x2, s5  }
0x9: {  	s5 =	smul.u32 $0x138800, s5;
	s6 =	sor.u32 s10, s6;
	s9 =	sshrl.u32 s7, $0x1  }
0xa: {  	s26 =	sshrl.u32 s8, $0x2;
	s22 =	sadd.s32 $0x5000, s14;
	s23 =	sadd.s32 $0x7800, s14  }
0xb: {  	s17 =	sadd.s32 $0xA000, s14;
	s18 =	sadd.s32 $0xC800, s14;
	s19 =	sadd.s32 $0xF000, s14  }
0xc: {  	s20 =	sadd.s32 $0x11800, s14;
	s6 =	smul.u32 $0x4E2, s6;
	s16 =	ssub.s32 s7, s9  }
0xd: {  	s7 =	sadd.s32 s26, s3;
	s9 =	sadd.s32 s22, s3;
	s10 =	sadd.s32 s23, s3  }
0xe: {  	s11 =	sadd.s32 s17, s3;
	s12 =	sadd.s32 s18, s3;
	s13 =	sadd.s32 s19, s3  }
0xf: {  	s21 =	sadd.s32 s14, s5;
	s24 =	sadd.s32 s5, s22;
	s25 =	sadd.s32 s5, s23  }
0x10: {  	s26 =	sadd.s32 s5, s17;
	s23 =	sadd.s32 s5, s18;
	s21 =	sshrl.u32 s21, $0x3  }
0x11: {  	s17 =	sshrl.u32 s25, $0x3;
	s0 =	sadd.s32 s0, s6;
	s1 =	sadd.s32 s1, s6  }
0x12: {  	s6 =	sadd.s32 $0x2800, s14;
	s14 =	sadd.s32 s20, s3;
	[dreg:$0x5] =	wrdreg s0  }
0x13: {  	s21 =	sadd.s32 s15, s21;
	[dreg:$0x6] =	wrdreg s1;
	s8 =	sadd.s32 s6, s3  }
0x14: {  	s0 =	sadd.s32 s5, s6;
	[dreg:$0x7] =	wrdreg s21;
	s21 =	sshrl.u32 s26, $0x3  }
0x15: {  	s1 =	simm.s32 $0x4F00;
	s0 =	sshrl.u32 s0, $0x3;
	s22 =	sadd.s32 s15, s21  }
0x16: {  	s6 =	simm.s32 $0x0;
	s0 =	sadd.s32 s15, s0;
	[dreg:$0xb] =	wrdreg s22  }
0x17: {  	[dreg:$0x8] =	wrdreg s0;
	s0 =	sshrl.u32 s24, $0x3;
	s24 =	sadd.s32 s5, s19  }
0x18: {  	s5 =	sadd.s32 s5, s20;
	s0 =	sadd.s32 s15, s0;
	s25 =	sshrl.u32 s24, $0x3  }
0x19: {  	s26 =	sshrl.u32 s5, $0x3;
	s24 =	simm.s32 $0x5;
	s5 =	simm.s32 $0x4F80  }
0x1a: {  	[dreg:$0x9] =	wrdreg s0;
	s0 =	sadd.s32 s15, s17;
	s21 =	sadd.s32 s15, s25  }
0x1b: {  	s22 =	sadd.s32 s15, s26;
	[dreg:$0xa] =	wrdreg s0;
	s0 =	sshrl.u32 s23, $0x3  }
0x1c: {  	s25 =	simm.s32 $0x5000;
	s26 =	simm.s32 $0x2;
	s0 =	sadd.s32 s15, s0  }
0x1d: {  	v0 =	vimm.f32 $0.0e+00;
	s23 =	smax.u32 s16, $0x1;
	[dreg:$0xc] =	wrdreg s0;
	s0 =	simm.s32 $0x1  }
.LBB2_1:
0x1e: {  	s15 =	rddreg [dreg:$0x5]  }
0x1f: {  	s18 =	rddreg [dreg:$0x6];
	s19 =	sand.u32 $0xFE00, s4  }
0x20: {  	[tilespmem:s4], [sflag:$0x3] =	stream.linear.gather [hbm4b:s15+s4], $0x2710, $0x38;
	[tilespmem:$0x1D880] =	vst v63  }
0x21: {  	s16 =	simm.s32 $0x2780;
	s20 =	sand.u32 $0x70, s4;
	s17 =	sshrl.u32 s19, $0x2  }
0x22: {  	[tilespmem:s16], [sflag:$0x4] =	stream.linear.gather [hbm4b:s18+s4], $0x2710, $0x38;
	[tilespmem:$0x1D880] =	vst v63  }
0x23: {  	s15 =	simm.s32 $0x40;
	s17 =	sor.u32 s20, s17;
	s16 =	simm.s32 $0x0  }
.LBB2_2:
0x24: {  	p0 =	sne.s32 s15, $0x9FC0  }
0x25: {  	[tilespmem:s17+$0x5000] =	vst v0;
	s16 =	sadd.s32 $0x10, s16;
	s17 =	smov.u32 s15;
	s15 =	sadd.s32 $0x40, s15  }
.Ltmp0:
0x26: {  	(pc) =	sbr.rel @p0 .LBB2_2-.Ltmp0, $4  }
0x27: {  	_ = 	snop  }
0x28: {  	s17 =	sand.u32 $0xFE00, s17  }
0x29: {  	s18 =	sand.u32 $0x70, s16;
	s17 =	sshrl.u32 s17, $0x2  }
0x2a: {  	s17 =	sor.u32 s18, s17  }
0x2b: {  	[tilespmem:s17+$0x5000] =	vst v0  }
0x2c: {  	[spmem:s7] =	stream.linear.scatter [tilespmem:s25], [sflag:$0x2], $0x2800, $0x38;
	[tilespmem:$0x1D880] =	vst v63  }
0x2d: {  	_ = 	snop  }
0x2e: {  	[spmem:s8] =	stream.linear.scatter [tilespmem:s25], [sflag:$0x2], $0x2800, $0x38;
	[tilespmem:$0x1D880] =	vst v63  }
0x2f: {  	_ = 	snop  }
0x30: {  	[spmem:s9] =	stream.linear.scatter [tilespmem:s25], [sflag:$0x2], $0x2800, $0x38;
	[tilespmem:$0x1D880] =	vst v63  }
0x31: {  	_ = 	snop  }
0x32: {  	[spmem:s10] =	stream.linear.scatter [tilespmem:s25], [sflag:$0x2], $0x2800, $0x38;
	[tilespmem:$0x1D880] =	vst v63  }
0x33: {  	_ = 	snop  }
0x34: {  	[spmem:s11] =	stream.linear.scatter [tilespmem:s25], [sflag:$0x2], $0x2800, $0x38;
	[tilespmem:$0x1D880] =	vst v63  }
0x35: {  	_ = 	snop  }
0x36: {  	[spmem:s12] =	stream.linear.scatter [tilespmem:s25], [sflag:$0x2], $0x2800, $0x38;
	[tilespmem:$0x1D880] =	vst v63  }
0x37: {  	_ = 	snop  }
0x38: {  	[spmem:s13] =	stream.linear.scatter [tilespmem:s25], [sflag:$0x2], $0x2800, $0x38;
	[tilespmem:$0x1D880] =	vst v63  }
0x39: {  	_ = 	snop  }
0x3a: {  	[spmem:s14] =	stream.linear.scatter [tilespmem:s25], [sflag:$0x2], $0x2800, $0x38;
	[tilespmem:$0x1D880] =	vst v63  }
0x3b: {  	_ =	swait.ge [sflag:s26], $0x2800  }
0x3c: {  	[sflag:s26] =	ssyncset.done $0x0  }
0x3d: {  	[sflag:s26] =	ssyncadd.s32 $0xFFFFD800  }
0x3e: {  	_ =	swait.ge [sflag:s26], $0x2800  }
0x3f: {  	[sflag:s26] =	ssyncset.done $0x0  }
0x40: {  	[sflag:s26] =	ssyncadd.s32 $0xFFFFD800  }
0x41: {  	_ =	swait.ge [sflag:s26], $0x2800  }
0x42: {  	[sflag:s26] =	ssyncset.done $0x0  }
0x43: {  	[sflag:s26] =	ssyncadd.s32 $0xFFFFD800  }
0x44: {  	_ =	swait.ge [sflag:s26], $0x2800  }
0x45: {  	[sflag:s26] =	ssyncset.done $0x0  }
0x46: {  	[sflag:s26] =	ssyncadd.s32 $0xFFFFD800  }
0x47: {  	_ =	swait.ge [sflag:s26], $0x2800  }
0x48: {  	[sflag:s26] =	ssyncset.done $0x0  }
0x49: {  	[sflag:s26] =	ssyncadd.s32 $0xFFFFD800  }
0x4a: {  	_ =	swait.ge [sflag:s26], $0x2800  }
0x4b: {  	[sflag:s26] =	ssyncset.done $0x0  }
0x4c: {  	[sflag:s26] =	ssyncadd.s32 $0xFFFFD800  }
0x4d: {  	_ =	swait.ge [sflag:s26], $0x2800  }
0x4e: {  	[sflag:s26] =	ssyncset.done $0x0  }
0x4f: {  	[sflag:s26] =	ssyncadd.s32 $0xFFFFD800  }
0x50: {  	_ =	swait.ge [sflag:s26], $0x2800  }
0x51: {  	[sflag:s26] =	ssyncset.done $0x0  }
0x52: {  	[sflag:s26] =	ssyncadd.s32 $0xFFFFD800  }
0x53: {  	_ =	swait.ge [sflag:s28], $0x2710  }
0x54: {  	[sflag:s28] =	ssyncset.done $0x0  }
0x55: {  	[sflag:s28] =	ssyncadd.s32 $0xFFFFD8F0  }
0x56: {  	_ =	swait.ge [sflag:s29], $0x2710  }
0x57: {  	[sflag:s29] =	ssyncset.done $0x0  }
0x58: {  	[sflag:s29] =	ssyncadd.s32 $0xFFFFD8F0  }
0x59: {  	s16 =	simm.s32 $0x0;
	[bflag:$0x0] =	sbarrier.arrive $0xFFFF  }
0x5a: {  	[tilespmem:s25], [sflag:$0x1] =	stream.indirect.gather [hbm4b:s2+s30], $0x80, s16, s30, $0xb8;
	[tilespmem:$0x1D880] =	vst v63  }
0x5b: {  	s15 =	simm.s32 $0x50  }
0x5c: {  	[tilespmem:s31], [sflag:$0x2] =	stream.indirect.gather [hbm4b:s2+s30], $0x80, s15, s30, $0xb8;
	[tilespmem:$0x1D880] =	vst v63  }
0x5d: {  	_ =	swait.ge [sflag:s0], $0x2800  }
0x5e: {  	[sflag:s0] =	ssyncset.done $0x0  }
0x5f: {  	s15 =	simm.s32 $0x27D0;
	[sflag:s0] =	ssyncadd.s32 $0xFFFFD800  }
0x60: {  	v1 =	vld [tilespmem:s15+$0xFFFFFFB0];
	_ =	sdelay $0x4  }
0x61: {  	[tilespmem:$0x4F00] =	vst v1  }
0x62: {  	v1 =	vld [tilespmem:s15+$0xFFFFFFC0];
	_ =	sdelay $0x4  }
0x63: {  	[tilespmem:$0x4F10] =	vst v1  }
0x64: {  	v1 =	vld [tilespmem:s15+$0xFFFFFFD0];
	_ =	sdelay $0x4  }
0x65: {  	[tilespmem:$0x4F20] =	vst v1  }
0x66: {  	v1 =	vld [tilespmem:s15+$0xFFFFFFE0];
	_ =	sdelay $0x4  }
0x67: {  	[tilespmem:$0x4F30] =	vst v1  }
0x68: {  	v1 =	vld [tilespmem:s15+$0xFFFFFFF0];
	_ =	sdelay $0x4  }
0x69: {  	[tilespmem:$0x4F40] =	vst v1  }
0x6a: {  	[spmem:s3] =	stream.indirect.scatter.add.f32 [tilespmem:s25], [sflag:$0x5], $0x80, s1, s30, $0xb8;
	[tilespmem:$0x1D880] =	vst v63  }
0x6b: {  	_ =	swait.ge [sflag:s24], $0x2800  }
0x6c: {  	[sflag:s24] =	ssyncset.done $0x0  }
0x6d: {  	s20 =	simm.s32 $0xA0;
	[sflag:s24] =	ssyncadd.s32 $0xFFFFD800  }
0x6e: {  	[tilespmem:s25], [sflag:$0x1] =	stream.indirect.gather [hbm4b:s2+s30], $0x80, s20, s30, $0xb8;
	[tilespmem:$0x1D880] =	vst v63  }
0x6f: {  	_ =	swait.ge [sflag:s26], $0x2800  }
0x70: {  	[sflag:s26] =	ssyncset.done $0x0  }
0x71: {  	[sflag:s26] =	ssyncadd.s32 $0xFFFFD800  }
0x72: {  	v1 =	vld [tilespmem:s15+$0x0];
	_ =	sdelay $0x4  }
0x73: {  	[tilespmem:$0x4F80] =	vst v1  }
0x74: {  	v1 =	vld [tilespmem:s15+$0x10];
	_ =	sdelay $0x4  }
0x75: {  	[tilespmem:$0x4F90] =	vst v1  }
0x76: {  	v1 =	vld [tilespmem:s15+$0x20];
	_ =	sdelay $0x4  }
0x77: {  	s16 =	sand.u32 $0x3FE0, s16;
	[tilespmem:$0x4FA0] =	vst v1  }
0x78: {  	v1 =	vld [tilespmem:s16+$0x2800];
	_ =	sdelay $0x4  }
0x79: {  	[tilespmem:$0x4FB0] =	vst v1  }
0x7a: {  	v1 =	vld [tilespmem:s15+$0x40];
	_ =	sdelay $0x4  }
0x7b: {  	[tilespmem:$0x4FC0] =	vst v1  }
0x7c: {  	[spmem:s3] =	stream.indirect.scatter.add.f32 [tilespmem:s31], [sflag:$0x5], $0x80, s5, s30, $0xb8;
	[tilespmem:$0x1D880] =	vst v63  }
0x7d: {  	s18 =	simm.s32 $0x140;
	_ =	swait.ge [sflag:s24], $0x2800  }
0x7e: {  	s17 =	simm.s32 $0x140;
	s16 =	simm.s32 $0xA0;
	[sflag:s24] =	ssyncset.done $0x0  }
.LBB2_4:
0x7f: {  	s20 =	sadd.s32 $0xFFFFFFB0, s17  }
0x80: {  	[sflag:s24] =	ssyncadd.s32 $0xFFFFD800;
	s15 =	sadd.s32 $0xA0, s15;
	s19 =	smov.u32 s18  }
0x81: {  	[tilespmem:s31], [sflag:$0x2] =	stream.indirect.gather [hbm4b:s2+s30], $0x80, s20, s30, $0xb8;
	[tilespmem:$0x1D880] =	vst v63  }
0x82: {  	p0 =	sne.s32 s18, $0x2620;
	s18 =	sadd.s32 $0xA0, s18;
	_ =	swait.ge [sflag:s0], $0x2800  }
0x83: {  	[sflag:s0] =	ssyncset.done $0x0  }
0x84: {  	[sflag:s0] =	ssyncadd.s32 $0xFFFFD800  }
0x85: {  	v1 =	vld [tilespmem:s15+$0xFFFFFFB0];
	_ =	sdelay $0x4  }
0x86: {  	[tilespmem:$0x4F00] =	vst v1  }
0x87: {  	v1 =	vld [tilespmem:s15+$0xFFFFFFC0];
	_ =	sdelay $0x4  }
0x88: {  	[tilespmem:$0x4F10] =	vst v1  }
0x89: {  	v1 =	vld [tilespmem:s15+$0xFFFFFFD0];
	_ =	sdelay $0x4  }
0x8a: {  	[tilespmem:$0x4F20] =	vst v1  }
0x8b: {  	v1 =	vld [tilespmem:s15+$0xFFFFFFE0];
	_ =	sdelay $0x4  }
0x8c: {  	[tilespmem:$0x4F30] =	vst v1  }
0x8d: {  	v1 =	vld [tilespmem:s15+$0xFFFFFFF0];
	_ =	sdelay $0x4  }
0x8e: {  	[tilespmem:$0x4F40] =	vst v1  }
0x8f: {  	[spmem:s3] =	stream.indirect.scatter.add.f32 [tilespmem:s25], [sflag:$0x5], $0x80, s1, s30, $0xb8;
	[tilespmem:$0x1D880] =	vst v63  }
0x90: {  	_ =	swait.ge [sflag:s24], $0x2800  }
0x91: {  	[sflag:s24] =	ssyncset.done $0x0  }
0x92: {  	[sflag:s24] =	ssyncadd.s32 $0xFFFFD800  }
0x93: {  	[tilespmem:s25], [sflag:$0x1] =	stream.indirect.gather [hbm4b:s2+s30], $0x80, s17, s30, $0xb8;
	[tilespmem:$0x1D880] =	vst v63  }
0x94: {  	_ =	swait.ge [sflag:s26], $0x2800  }
0x95: {  	[sflag:s26] =	ssyncset.done $0x0  }
0x96: {  	[sflag:s26] =	ssyncadd.s32 $0xFFFFD800  }
0x97: {  	v1 =	vld [tilespmem:s15+$0x0];
	_ =	sdelay $0x4  }
0x98: {  	[tilespmem:$0x4F80] =	vst v1  }
0x99: {  	v1 =	vld [tilespmem:s15+$0x10];
	_ =	sdelay $0x4  }
0x9a: {  	[tilespmem:$0x4F90] =	vst v1  }
0x9b: {  	v1 =	vld [tilespmem:s15+$0x20];
	_ =	sdelay $0x4  }
0x9c: {  	s20 =	sand.u32 $0x3FE0, s16;
	s16 =	smov.u32 s19;
	[tilespmem:$0x4FA0] =	vst v1  }
0x9d: {  	v1 =	vld [tilespmem:s20+$0x2800];
	_ =	sdelay $0x4  }
0x9e: {  	[tilespmem:$0x4FB0] =	vst v1  }
0x9f: {  	v1 =	vld [tilespmem:s15+$0x40];
	_ =	sdelay $0x3  }
.Ltmp1:
0xa0: {  	(pc) =	sbr.rel @p0 .LBB2_4-.Ltmp1, $4  }
0xa1: {  	[tilespmem:$0x4FC0] =	vst v1  }
0xa2: {  	[spmem:s3] =	stream.indirect.scatter.add.f32 [tilespmem:s31], [sflag:$0x5], $0x80, s5, s30, $0xb8;
	[tilespmem:$0x1D880] =	vst v63  }
0xa3: {  	_ =	swait.ge [sflag:s24], $0x2800  }
0xa4: {  	s17 =	sadd.s32 $0xA0, s17;
	[sflag:s24] =	ssyncset.done $0x0  }
0xa5: {  	s18 =	sadd.s32 $0xFFFFFFB0, s17;
	[sflag:s24] =	ssyncadd.s32 $0xFFFFD800  }
0xa6: {  	[tilespmem:s31], [sflag:$0x2] =	stream.indirect.gather [hbm4b:s2+s30], $0x80, s18, s30, $0xb8;
	[tilespmem:$0x1D880] =	vst v63  }
0xa7: {  	_ =	swait.ge [sflag:s0], $0x2800  }
0xa8: {  	[sflag:s0] =	ssyncset.done $0x0  }
0xa9: {  	s15 =	sadd.s32 $0xA0, s15;
	[sflag:s0] =	ssyncadd.s32 $0xFFFFD800  }
0xaa: {  	v1 =	vld [tilespmem:s15+$0xFFFFFFB0];
	_ =	sdelay $0x4  }
0xab: {  	[tilespmem:$0x4F00] =	vst v1  }
0xac: {  	v1 =	vld [tilespmem:s15+$0xFFFFFFC0];
	_ =	sdelay $0x4  }
0xad: {  	[tilespmem:$0x4F10] =	vst v1  }
0xae: {  	v1 =	vld [tilespmem:s15+$0xFFFFFFD0];
	_ =	sdelay $0x4  }
0xaf: {  	[tilespmem:$0x4F20] =	vst v1  }
0xb0: {  	v1 =	vld [tilespmem:s15+$0xFFFFFFE0];
	_ =	sdelay $0x4  }
0xb1: {  	[tilespmem:$0x4F30] =	vst v1  }
0xb2: {  	v1 =	vld [tilespmem:s15+$0xFFFFFFF0];
	_ =	sdelay $0x4  }
0xb3: {  	[tilespmem:$0x4F40] =	vst v1  }
0xb4: {  	[spmem:s3] =	stream.indirect.scatter.add.f32 [tilespmem:s25], [sflag:$0x5], $0x80, s1, s30, $0xb8;
	[tilespmem:$0x1D880] =	vst v63  }
0xb5: {  	_ =	swait.ge [sflag:s24], $0x2800  }
0xb6: {  	[sflag:s24] =	ssyncset.done $0x0  }
0xb7: {  	[sflag:s24] =	ssyncadd.s32 $0xFFFFD800  }
0xb8: {  	[tilespmem:s25], [sflag:$0x1] =	stream.indirect.gather [hbm4b:s2+s30], $0x80, s17, s30, $0xb8;
	[tilespmem:$0x1D880] =	vst v63  }
0xb9: {  	_ =	swait.ge [sflag:s26], $0x2800  }
0xba: {  	[sflag:s26] =	ssyncset.done $0x0  }
0xbb: {  	[sflag:s26] =	ssyncadd.s32 $0xFFFFD800  }
0xbc: {  	v1 =	vld [tilespmem:s15+$0x0];
	_ =	sdelay $0x4  }
0xbd: {  	[tilespmem:$0x4F80] =	vst v1  }
0xbe: {  	v1 =	vld [tilespmem:s15+$0x10];
	_ =	sdelay $0x4  }
0xbf: {  	[tilespmem:$0x4F90] =	vst v1  }
0xc0: {  	v1 =	vld [tilespmem:s15+$0x20];
	_ =	sdelay $0x4  }
0xc1: {  	s16 =	sand.u32 $0x3FE0, s16;
	[tilespmem:$0x4FA0] =	vst v1  }
0xc2: {  	v1 =	vld [tilespmem:s16+$0x2800];
	_ =	sdelay $0x4  }
0xc3: {  	[tilespmem:$0x4FB0] =	vst v1  }
0xc4: {  	v1 =	vld [tilespmem:s15+$0x40];
	_ =	sdelay $0x4  }
0xc5: {  	[tilespmem:$0x4FC0] =	vst v1  }
0xc6: {  	[spmem:s3] =	stream.indirect.scatter.add.f32 [tilespmem:s31], [sflag:$0x5], $0x80, s5, s30, $0xb8;
	[tilespmem:$0x1D880] =	vst v63  }
0xc7: {  	_ =	swait.ge [sflag:s24], $0x2800  }
0xc8: {  	[sflag:s24] =	ssyncset.done $0x0  }
0xc9: {  	[sflag:s24] =	ssyncadd.s32 $0xFFFFD800  }
0xca: {  	_ =	swait.ge [sflag:s0], $0x2800  }
0xcb: {  	[sflag:s0] =	ssyncset.done $0x0  }
0xcc: {  	[sflag:s0] =	ssyncadd.s32 $0xFFFFD800  }
0xcd: {  	v1 =	vld [tilespmem:$0x4E40]  }
0xce: {  	v2 =	vld [tilespmem:$0x4E50]  }
0xcf: {  	v3 =	vld [tilespmem:$0x4E60]  }
0xd0: {  	v4 =	vld [tilespmem:$0x4E70]  }
0xd1: {  	v5 =	vld [tilespmem:$0x4E80]  }
0xd2: {  	[tilespmem:$0x4F00] =	vst v1  }
0xd3: {  	[tilespmem:$0x4F10] =	vst v2  }
0xd4: {  	[tilespmem:$0x4F20] =	vst v3  }
0xd5: {  	[tilespmem:$0x4F30] =	vst v4  }
0xd6: {  	[tilespmem:$0x4F40] =	vst v5  }
0xd7: {  	[spmem:s3] =	stream.indirect.scatter.add.f32 [tilespmem:s25], [sflag:$0x5], $0x80, s1, s30, $0xb8;
	[tilespmem:$0x1D880] =	vst v63  }
0xd8: {  	_ =	swait.ge [sflag:s24], $0x2800  }
0xd9: {  	[sflag:s24] =	ssyncset.done $0x0  }
0xda: {  	s17 =	stileid.u32;
	[sflag:s24] =	ssyncadd.s32 $0xFFFFD800  }
0xdb: {  	s15 =	sshll.u32 s17, $0x6;
	[bflag:$0x0] =	sbarrier.arrive $0xFFFF  }
0xdc: {  	s18 =	sshrl.u32 s7, $0x3;
	s15 =	sor.u32 $0x1C01, s15;
	s19 =	rddreg [dreg:$0x7]  }
0xdd: {  	[hbm:s19], [sflag:s15] =	dma.local [spmem:s18], $0x500  }
0xde: {  	s20 =	sshrl.u32 s8, $0x3;
	s17 =	rddreg [dreg:$0x8]  }
0xdf: {  	[hbm:s17], [sflag:s15] =	dma.local [spmem:s20], $0x500  }
0xe0: {  	s18 =	sshrl.u32 s9, $0x3;
	s17 =	rddreg [dreg:$0x9]  }
0xe1: {  	[hbm:s17], [sflag:s15] =	dma.local [spmem:s18], $0x500  }
0xe2: {  	s19 =	sshrl.u32 s10, $0x3;
	s17 =	rddreg [dreg:$0xa]  }
0xe3: {  	[hbm:s17], [sflag:s15] =	dma.local [spmem:s19], $0x500  }
0xe4: {  	s20 =	sshrl.u32 s11, $0x3;
	s18 =	sshrl.u32 s12, $0x3;
	s17 =	rddreg [dreg:$0xb]  }
0xe5: {  	[hbm:s17], [sflag:s15] =	dma.local [spmem:s20], $0x500  }
0xe6: {  	s19 =	sshrl.u32 s13, $0x3;
	s20 =	sshrl.u32 s14, $0x3;
	s17 =	rddreg [dreg:$0xc]  }
0xe7: {  	[hbm:s17], [sflag:s15] =	dma.local [spmem:s18], $0x500  }
0xe8: {  	[hbm:s21], [sflag:s15] =	dma.local [spmem:s19], $0x500  }
0xe9: {  	[hbm:s22], [sflag:s15] =	dma.local [spmem:s20], $0x500  }
0xea: {  	_ =	swait.ge [sflag:s0], $0x500  }
0xeb: {  	[sflag:s0] =	ssyncset.done $0x0  }
0xec: {  	[sflag:s0] =	ssyncadd.s32 $0xFFFFFB00  }
0xed: {  	_ =	swait.ge [sflag:s0], $0x500  }
0xee: {  	[sflag:s0] =	ssyncset.done $0x0  }
0xef: {  	[sflag:s0] =	ssyncadd.s32 $0xFFFFFB00  }
0xf0: {  	_ =	swait.ge [sflag:s0], $0x500  }
0xf1: {  	[sflag:s0] =	ssyncset.done $0x0  }
0xf2: {  	[sflag:s0] =	ssyncadd.s32 $0xFFFFFB00  }
0xf3: {  	_ =	swait.ge [sflag:s0], $0x500  }
0xf4: {  	[sflag:s0] =	ssyncset.done $0x0  }
0xf5: {  	[sflag:s0] =	ssyncadd.s32 $0xFFFFFB00  }
0xf6: {  	_ =	swait.ge [sflag:s0], $0x500  }
0xf7: {  	[sflag:s0] =	ssyncset.done $0x0  }
0xf8: {  	[sflag:s0] =	ssyncadd.s32 $0xFFFFFB00  }
0xf9: {  	_ =	swait.ge [sflag:s0], $0x500  }
0xfa: {  	[sflag:s0] =	ssyncset.done $0x0  }
0xfb: {  	s6 =	sadd.s32 $0x1, s6;
	[sflag:s0] =	ssyncadd.s32 $0xFFFFFB00  }
0xfc: {  	p0 =	sne.s32 s6, s23;
	_ =	swait.ge [sflag:s0], $0x500  }
.Ltmp2:
0xfd: {  	[sflag:s0] =	ssyncset.done $0x0;
	(pc) =	sbr.rel @p0 .LBB2_1-.Ltmp2, $4  }
0xfe: {  	[sflag:s0] =	ssyncadd.s32 $0xFFFFFB00  }
0xff: {  	_ =	swait.ge [sflag:s0], $0x500  }
0x100: {  	[sflag:s0] =	ssyncset.done $0x0  }
0x101: {  	[sflag:s0] =	ssyncadd.s32 $0xFFFFFB00  }
0x102: {  	_ =	sfence.sel $0x180000  }
0x103: {  	[bflag:$0x0] =	sbarrier.arrive $0xFFFF  }
0x104: {  	_ =	strace $0x90000047  }
0x105: {  	s0 =	stileid.u32;
	[bflag:$0x2] =	sbarrier.arrive $0xFFFF  }
0x106: {  	p0 =	sne.s32 s0, $0x0;
	s0 =	rddreg [dreg:$0x4]  }
0x107: {  	s0 =	sadd.s32 @!p0 $0x100000, s0  }
0x108: {  	[sflag:s0] =	ssyncadd.tile.s32 @!p0 $0x1;
	_ =	shalt  }
.Lfunc_end2:
_tile_overlayer_lowered:
.L_overlay_start_2:
0x109: {  	(tag) =	ssettag $0x2  }
0x10a: {  	s0 =	rddreg [dreg:$0x0];
	s2 =	stileid.u32  }
0x10b: {  	s1 =	rddreg [dreg:$0x1];
	p0 =	sne.s32 s2, $0x0  }
0x10c: {  	s3 =	rddreg [dreg:$0x2];
	[bflag:$0x3] =	sbarrier.arrive $0xFFFF;
	s2 =	simm.s32 @!p0 $0x1C05  }
0x10d: {  	[timem:s3], [sflag:s2] =	dma.local @!p0 [hbm:s0], s1  }
0x10e: {  	s0 =	simm.s32 @!p0 $0x5  }
0x10f: {  	_ =	swait.ge @!p0 [sflag:s0], s1  }
0x110: {  	s1 =	ssub.s32 @!p0 $0x0, s1;
	[sflag:s0] =	ssyncset.done @!p0 $0x0  }
0x111: {  	[sflag:s0] =	ssyncadd.s32 @!p0 s1  }
0x112: {  	[bflag:$0x3] =	sbarrier.arrive $0xFFFF  }
0x113: {  	_ =	shalt  }

</sc_bundles>
